<compile_context>
chip_gen: v7x
topology: tpu7x:2x2x1
jax: 0.10.2.dev20260603
libtpu: 0.0.44.dev20260713+nightly
codegen_flags: <defaults>
</compile_context>

<pallas_src>
import functools

import jax
import jax.numpy as jnp
from jax import lax
from jax.experimental import pallas as pl
from jax.experimental.pallas import tpu as pltpu
from jax.experimental.pallas import tpu_sc as plsc

_NC = 2
_NS = 16
_L = 16
_NW = _NC * _NS

_CH = 4096
_G = 4096

_LN2 = 0.6931471805599453
_G1 = 0.44159207720654886
_G2 = -0.7072534335743554
_G3 = 0.41156148231045137
_G4 = -0.18983244652665532
_G5 = 0.043928627847937184
_INV223 = float(2.0 ** -23)
_TBITS = 10
_TSIZE = 1 << _TBITS


def _g_of(f):
    return f * (_G1 + f * (_G2 + f * (_G3 + f * (_G4 + f * _G5))))


def _log2_raw(v, tab_ref):
    bits = lax.bitcast_convert_type(v, jnp.int32)
    idx = jnp.bitwise_and(lax.shift_right_logical(bits, 23 - _TBITS),
                          _TSIZE - 1)
    g = plsc.load_gather(tab_ref, [idx])
    return bits.astype(jnp.float32) * _INV223 + g


def _sc_partials(table, state_indices, choice_indices, weights, n_choices):
    n_obs = state_indices.shape[0]
    per_w = n_obs // _NW
    n_chunks = per_w // _CH
    n_half = n_chunks // 2

    mesh = plsc.VectorSubcoreMesh(
        core_axis_name="c", subcore_axis_name="s",
        num_cores=_NC, num_subcores=_NS)

    @functools.partial(
        pl.kernel,
        out_type=jax.ShapeDtypeStruct((_NW, 2, _L), jnp.float32),
        mesh=mesh,
        compiler_params=pltpu.CompilerParams(needs_layout_passes=False),
        scratch_types=[
            pltpu.VMEM((per_w,), jnp.int32),
            pltpu.VMEM((per_w,), jnp.int32),
            pltpu.VMEM((per_w,), jnp.float32),
            pltpu.VMEM((_CH,), jnp.float32),
            pltpu.VMEM((_CH,), jnp.float32),
            pltpu.VMEM((2, _L), jnp.float32),
            pltpu.VMEM((_TSIZE,), jnp.float32),
            pltpu.SemaphoreType.DMA,
            pltpu.SemaphoreType.DMA,
            pltpu.SemaphoreType.DMA,
        ],
    )
    def k(table_hbm, s_hbm, c_hbm, w_hbm, out_hbm, s_v, f_v, w_v, p0_v, p1_v,
          acc_v, tab_v, sem_in, sem_a, sem_b):
        p_bufs = (p0_v, p1_v)
        wid = lax.axis_index("s") * _NC + lax.axis_index("c")
        base = wid * per_w

        loads = [
            pltpu.async_copy(s_hbm.at[pl.ds(base, per_w)], s_v, sem_in),
            pltpu.async_copy(c_hbm.at[pl.ds(base, per_w)], f_v, sem_in),
            pltpu.async_copy(w_hbm.at[pl.ds(base, per_w)], w_v, sem_in),
        ]

        lane = lax.iota(jnp.int32, _L)

        @plsc.parallel_loop(0, _TSIZE, step=_L)
        def _(j):
            fmid = ((lane + j).astype(jnp.float32) + 0.5) * (1.0 / _TSIZE)
            tab_v[pl.ds(pl.multiple_of(j, _L), _L)] = _g_of(fmid)

        for ld in loads:
            ld.wait()

        def flat_chunk(c):
            @plsc.parallel_loop(0, _CH, step=_L, unroll=8)
            def _(i):
                sl = pl.ds(pl.multiple_of(c * _CH + i, _L), _L)
                f_v[sl] = s_v[sl] * n_choices + f_v[sl]

        def gather_descs(c, buf, sem):
            return [
                pltpu.make_async_copy(
                    table_hbm.at[f_v.at[pl.ds(c * _CH + j * _G, _G)]],
                    p_bufs[buf].at[pl.ds(j * _G, _G)], sem)
                for j in range(_CH // _G)
            ]

        def fire(c, buf, sem):
            for d in gather_descs(c, buf, sem):
                d.start()

        def drain(c, buf, sem):
            for d in gather_descs(c, buf, sem):
                d.wait()

        def acc_chunk(c, buf, carry):
            @plsc.parallel_loop(0, _CH, step=4 * _L, carry=carry)
            def new_carry(i, cr):
                out = []
                for t in range(4):
                    a_ll, a_w = cr[2 * t], cr[2 * t + 1]
                    sl = pl.ds(pl.multiple_of(c * _CH + i + t * _L, _L), _L)
                    psl = pl.ds(pl.multiple_of(i + t * _L, _L), _L)
                    lw = w_v[sl]
                    out += [a_ll + lw * _log2_raw(p_bufs[buf][psl], tab_v),
                            a_w + lw]
                return tuple(out)
            return new_carry

        flat_chunk(0)
        fire(0, 0, sem_a)
        flat_chunk(1)
        fire(1, 1, sem_b)

        def half_body(rr, carry):
            c0 = rr * 2
            @pl.when(rr < n_half - 1)
            def _():
                flat_chunk(c0 + 2)
            drain(c0, 0, sem_a)
            carry = acc_chunk(c0, 0, carry)

            @pl.when(rr < n_half - 1)
            def _():
                fire(c0 + 2, 0, sem_a)
                flat_chunk(c0 + 3)
            drain(c0 + 1, 1, sem_b)
            carry = acc_chunk(c0 + 1, 1, carry)

            @pl.when(rr < n_half - 1)
            def _():
                fire(c0 + 3, 1, sem_b)
            return carry

        z = jnp.zeros((_L,), jnp.float32)
        carry = lax.fori_loop(0, n_half, half_body, (z,) * 8)
        lane_raw = carry[0] + carry[2] + carry[4] + carry[6]
        lane_w = carry[1] + carry[3] + carry[5] + carry[7]
        acc_v[0, :] = lane_raw - 127.0 * lane_w
        acc_v[1, :] = lane_w
        pltpu.sync_copy(acc_v, out_hbm.at[wid])

    return k(table, state_indices, choice_indices, weights)


def kernel(choice_probs, state_indices, choice_indices, weights):
    n_choices = choice_probs.shape[1]
    table = choice_probs.reshape(-1)
    parts = _sc_partials(table, state_indices, choice_indices, weights,
                         n_choices)
    ll = _LN2 * jnp.sum(parts[:, 0, :])
    sw = jnp.sum(parts[:, 1, :])
    nll = -(ll / sw)
    return jnp.where(jnp.isfinite(nll), nll, jnp.asarray(1e10, nll.dtype))

# --- scband reference (transcript-rebuilt; emitter-appended) ---
"""Pipeline reference for scband-maximum-likelihood-9036611190800 (READ-ONLY COPY).

The authoritative reference and input builder live on the scoring server;
editing this copy changes nothing except your own understanding.
"""

import jax, jax.numpy as jnp
import numpy as np

LOSS_PENALTY = 1e10
N_STATES = 100000
N_CHOICES = 128
N_OBS = 1048576


def setup_inputs(seed: int = 0) -> dict:
    key = jax.random.key(seed)
    k1, k2, k3, k4 = jax.random.split(key, 4)
    choice_probs = jax.random.uniform(k1, (N_STATES, N_CHOICES), dtype=jnp.float32, minval=1e-6, maxval=1.0)
    # normalize rows so they form valid choice probabilities (as a solver would produce)
    choice_probs = choice_probs / jnp.sum(choice_probs, axis=1, keepdims=True)
    state_indices = jax.random.randint(k2, (N_OBS,), 0, N_STATES, dtype=jnp.int32)
    choice_indices = jax.random.randint(k3, (N_OBS,), 0, N_CHOICES, dtype=jnp.int32)
    weights = jax.random.uniform(k4, (N_OBS,), dtype=jnp.float32, minval=0.5, maxval=1.5)
    return {
        "choice_probs": choice_probs,
        "state_indices": state_indices,
        "choice_indices": choice_indices,
        "weights": weights,
    }


def reference(choice_probs, state_indices, choice_indices, weights):
    # p_selected = choice_probs[obs_states, obs_choices]  (2D gather)
    p_selected = choice_probs[state_indices, choice_indices]
    p_selected = jnp.clip(p_selected, 1e-10, 1.0)
    sum_weights = jnp.sum(weights)
    ll_choice = jnp.sum(jnp.log(p_selected) * weights)
    nll = -(ll_choice / sum_weights)
    robust_nll = jnp.where(jnp.isfinite(nll), nll, jnp.array(LOSS_PENALTY, dtype=nll.dtype))
    return robust_nll


if False:  # reference __main__ guard neutralized (emitter)
    out = reference(**setup_inputs())
    print(out)

if __name__ == "__main__":
    import jax
    _d = setup_inputs()
    print(jax.jit(kernel)(*tuple(_d.values())))

</pallas_src>

<mosaic_0001>
#map = affine_map<(d0, d1) -> (0)>
#map1 = affine_map<(d0, d1) -> (0, 0, 0)>
module attributes {stable_mosaic.version = 14 : i64} {
  func.func @k(%arg0: i32, %arg1: i32, %arg2: memref<12800000xf32, #tpu.memory_space<hbm>>, %arg3: memref<1048576xi32, #tpu.memory_space<hbm>>, %arg4: memref<1048576xi32, #tpu.memory_space<hbm>>, %arg5: memref<1048576xf32, #tpu.memory_space<hbm>>, %arg6: memref<32x2x16xf32, #tpu.memory_space<hbm>>, %arg7: memref<32768xi32, #tpu.memory_space<vmem>>, %arg8: memref<32768xi32, #tpu.memory_space<vmem>>, %arg9: memref<32768xf32, #tpu.memory_space<vmem>>, %arg10: memref<4096xf32, #tpu.memory_space<vmem>>, %arg11: memref<4096xf32, #tpu.memory_space<vmem>>, %arg12: memref<2x16xf32, #tpu.memory_space<vmem>>, %arg13: memref<1024xf32, #tpu.memory_space<vmem>>, %arg14: memref<!tpu.dma_semaphore, #tpu.memory_space<semaphore_mem>>, %arg15: memref<!tpu.dma_semaphore, #tpu.memory_space<semaphore_mem>>, %arg16: memref<!tpu.dma_semaphore, #tpu.memory_space<semaphore_mem>>) attributes {dimension_semantics = [#tpu.dimension_semantics<core_parallel>, #tpu.dimension_semantics<subcore_parallel>], iteration_bounds = array<i64: 2, 16>, scalar_prefetch = 0 : i64, scratch_operands = 10 : i64, tpu.core_type = #tpu.core_type<sc_vector_subcore>, window_params = [{transform_indices = #map}, {transform_indices = #map}, {transform_indices = #map}, {transform_indices = #map}, {transform_indices = #map1}]} {
    %mul3A = arith.constant 2 : i32
    %mul3A_0 = arith.muli %arg1, %mul3A : i32
    %add3A = arith.addi %mul3A_0, %arg0 : i32
    %mul3A_1 = arith.constant 32768 : i32
    %mul3A_2 = arith.muli %add3A, %mul3A_1 : i32
    %dma_start3A = tpu.memref_slice %arg3[%mul3A_2] : memref<1048576xi32, #tpu.memory_space<hbm>> -> memref<32768xi32, #tpu.memory_space<hbm>>
    %dma_start3A_3 = tpu.memref_slice %arg3[%mul3A_2] : memref<1048576xi32, #tpu.memory_space<hbm>> -> memref<32768xi32, #tpu.memory_space<hbm>>
    tpu.enqueue_dma source(%dma_start3A_3 : memref<32768xi32, #tpu.memory_space<hbm>>) target(%arg7 : memref<32768xi32, #tpu.memory_space<vmem>>) target_semaphore(%arg14 : memref<!tpu.dma_semaphore, #tpu.memory_space<semaphore_mem>>)
    %dma_start3A_4 = tpu.memref_slice %arg4[%mul3A_2] : memref<1048576xi32, #tpu.memory_space<hbm>> -> memref<32768xi32, #tpu.memory_space<hbm>>
    %dma_start3A_5 = tpu.memref_slice %arg4[%mul3A_2] : memref<1048576xi32, #tpu.memory_space<hbm>> -> memref<32768xi32, #tpu.memory_space<hbm>>
    tpu.enqueue_dma source(%dma_start3A_5 : memref<32768xi32, #tpu.memory_space<hbm>>) target(%arg8 : memref<32768xi32, #tpu.memory_space<vmem>>) target_semaphore(%arg14 : memref<!tpu.dma_semaphore, #tpu.memory_space<semaphore_mem>>)
    %dma_start3A_6 = tpu.memref_slice %arg5[%mul3A_2] : memref<1048576xf32, #tpu.memory_space<hbm>> -> memref<32768xf32, #tpu.memory_space<hbm>>
    %dma_start3A_7 = tpu.memref_slice %arg5[%mul3A_2] : memref<1048576xf32, #tpu.memory_space<hbm>> -> memref<32768xf32, #tpu.memory_space<hbm>>
    tpu.enqueue_dma source(%dma_start3A_7 : memref<32768xf32, #tpu.memory_space<hbm>>) target(%arg9 : memref<32768xf32, #tpu.memory_space<vmem>>) target_semaphore(%arg14 : memref<!tpu.dma_semaphore, #tpu.memory_space<semaphore_mem>>)
    %iota3A = tpu.iota {dimensions = array<i32: 0>} : vector<16xi32>
    %parallel_loop3A = arith.constant 0 : i32
    %parallel_loop3A_8 = arith.constant 1024 : i32
    %parallel_loop3A_9 = arith.constant 16 : i32
    scf.for %parallel_loop3A_55 = %parallel_loop3A to %parallel_loop3A_8 step %parallel_loop3A_9  : i32 {
      %parallel_loop3A_56 = vector.broadcast %parallel_loop3A_55 : i32 to vector<16xi32>
      %parallel_loop3A_57 = arith.addi %iota3A, %parallel_loop3A_56 : vector<16xi32>
      %parallel_loop3A_58 = arith.sitofp %parallel_loop3A_57 : vector<16xi32> to vector<16xf32>
      %parallel_loop3A_59 = arith.constant 5.000000e-01 : f32
      %parallel_loop3A_60 = vector.broadcast %parallel_loop3A_59 : f32 to vector<16xf32>
      %parallel_loop3A_61 = arith.addf %parallel_loop3A_58, %parallel_loop3A_60 : vector<16xf32>
      %parallel_loop3A_62 = arith.constant 9.765625E-4 : f32
      %parallel_loop3A_63 = vector.broadcast %parallel_loop3A_62 : f32 to vector<16xf32>
      %parallel_loop3A_64 = arith.mulf %parallel_loop3A_61, %parallel_loop3A_63 : vector<16xf32>
      %parallel_loop3A_65 = arith.constant 0.0439286269 : f32
      %parallel_loop3A_66 = vector.broadcast %parallel_loop3A_65 : f32 to vector<16xf32>
      %parallel_loop3A_67 = arith.mulf %parallel_loop3A_64, %parallel_loop3A_66 : vector<16xf32>
      %parallel_loop3A_68 = arith.constant -0.189832449 : f32
      %parallel_loop3A_69 = vector.broadcast %parallel_loop3A_68 : f32 to vector<16xf32>
      %parallel_loop3A_70 = arith.addf %parallel_loop3A_69, %parallel_loop3A_67 : vector<16xf32>
      %parallel_loop3A_71 = arith.mulf %parallel_loop3A_64, %parallel_loop3A_70 : vector<16xf32>
      %parallel_loop3A_72 = arith.constant 0.411561489 : f32
      %parallel_loop3A_73 = vector.broadcast %parallel_loop3A_72 : f32 to vector<16xf32>
      %parallel_loop3A_74 = arith.addf %parallel_loop3A_73, %parallel_loop3A_71 : vector<16xf32>
      %parallel_loop3A_75 = arith.mulf %parallel_loop3A_64, %parallel_loop3A_74 : vector<16xf32>
      %parallel_loop3A_76 = arith.constant -0.707253456 : f32
      %parallel_loop3A_77 = vector.broadcast %parallel_loop3A_76 : f32 to vector<16xf32>
      %parallel_loop3A_78 = arith.addf %parallel_loop3A_77, %parallel_loop3A_75 : vector<16xf32>
      %parallel_loop3A_79 = arith.mulf %parallel_loop3A_64, %parallel_loop3A_78 : vector<16xf32>
      %parallel_loop3A_80 = arith.constant 0.441592067 : f32
      %parallel_loop3A_81 = vector.broadcast %parallel_loop3A_80 : f32 to vector<16xf32>
      %parallel_loop3A_82 = arith.addf %parallel_loop3A_81, %parallel_loop3A_79 : vector<16xf32>
      %parallel_loop3A_83 = arith.mulf %parallel_loop3A_64, %parallel_loop3A_82 : vector<16xf32>
      %parallel_loop3A_84 = tpu.assume_multiple %parallel_loop3A_55, 16 : i32
      %parallel_loop3A_85 = arith.index_cast %parallel_loop3A_84 : i32 to index
      %parallel_loop3A_86 = tpu.vector_load %arg13[%parallel_loop3A_85] {strides = array<i32>} : memref<1024xf32, #tpu.memory_space<vmem>>, vector<16xf32>,
      tpu.vector_store %arg13[%parallel_loop3A_85], %parallel_loop3A_83 {strides = array<i32>} : memref<1024xf32, #tpu.memory_space<vmem>>, vector<16xf32>,
    } {sc.loop_unroll_factor = 1 : i64, sc.parallel_access}
    %dma_wait3A = tpu.memref_slice %arg3[%mul3A_2] : memref<1048576xi32, #tpu.memory_space<hbm>> -> memref<32768xi32, #tpu.memory_space<hbm>>
    %dma_wait3A_10 = tpu.memref_slice %arg3[%mul3A_2] : memref<1048576xi32, #tpu.memory_space<hbm>> -> memref<32768xi32, #tpu.memory_space<hbm>>
    tpu.wait_dma2 semaphore(%arg14 : memref<!tpu.dma_semaphore, #tpu.memory_space<semaphore_mem>>) src(%dma_wait3A_10 : memref<32768xi32, #tpu.memory_space<hbm>>) dst(%arg7 : memref<32768xi32, #tpu.memory_space<vmem>>)
    %dma_wait3A_11 = tpu.memref_slice %arg4[%mul3A_2] : memref<1048576xi32, #tpu.memory_space<hbm>> -> memref<32768xi32, #tpu.memory_space<hbm>>
    %dma_wait3A_12 = tpu.memref_slice %arg4[%mul3A_2] : memref<1048576xi32, #tpu.memory_space<hbm>> -> memref<32768xi32, #tpu.memory_space<hbm>>
    tpu.wait_dma2 semaphore(%arg14 : memref<!tpu.dma_semaphore, #tpu.memory_space<semaphore_mem>>) src(%dma_wait3A_12 : memref<32768xi32, #tpu.memory_space<hbm>>) dst(%arg8 : memref<32768xi32, #tpu.memory_space<vmem>>)
    %dma_wait3A_13 = tpu.memref_slice %arg5[%mul3A_2] : memref<1048576xf32, #tpu.memory_space<hbm>> -> memref<32768xf32, #tpu.memory_space<hbm>>
    %dma_wait3A_14 = tpu.memref_slice %arg5[%mul3A_2] : memref<1048576xf32, #tpu.memory_space<hbm>> -> memref<32768xf32, #tpu.memory_space<hbm>>
    tpu.wait_dma2 semaphore(%arg14 : memref<!tpu.dma_semaphore, #tpu.memory_space<semaphore_mem>>) src(%dma_wait3A_14 : memref<32768xf32, #tpu.memory_space<hbm>>) dst(%arg9 : memref<32768xf32, #tpu.memory_space<vmem>>)
    %parallel_loop3A_15 = arith.constant 0 : i32
    %parallel_loop3A_16 = arith.constant 4096 : i32
    %parallel_loop3A_17 = arith.constant 16 : i32
    scf.for %parallel_loop3A_55 = %parallel_loop3A_15 to %parallel_loop3A_16 step %parallel_loop3A_17  : i32 {
      %parallel_loop3A_56 = arith.constant 0 : i32
      %parallel_loop3A_57 = arith.addi %parallel_loop3A_56, %parallel_loop3A_55 : i32
      %parallel_loop3A_58 = tpu.assume_multiple %parallel_loop3A_57, 16 : i32
      %parallel_loop3A_59 = arith.index_cast %parallel_loop3A_58 : i32 to index
      %parallel_loop3A_60 = tpu.vector_load %arg7[%parallel_loop3A_59] {strides = array<i32>} : memref<32768xi32, #tpu.memory_space<vmem>>, vector<16xi32>,
      %parallel_loop3A_61 = arith.constant 128 : i32
      %parallel_loop3A_62 = vector.broadcast %parallel_loop3A_61 : i32 to vector<16xi32>
      %parallel_loop3A_63 = arith.muli %parallel_loop3A_60, %parallel_loop3A_62 : vector<16xi32>
      %parallel_loop3A_64 = arith.index_cast %parallel_loop3A_58 : i32 to index
      %parallel_loop3A_65 = tpu.vector_load %arg8[%parallel_loop3A_64] {strides = array<i32>} : memref<32768xi32, #tpu.memory_space<vmem>>, vector<16xi32>,
      %parallel_loop3A_66 = arith.addi %parallel_loop3A_63, %parallel_loop3A_65 : vector<16xi32>
      %parallel_loop3A_67 = arith.index_cast %parallel_loop3A_58 : i32 to index
      %parallel_loop3A_68 = tpu.vector_load %arg8[%parallel_loop3A_67] {strides = array<i32>} : memref<32768xi32, #tpu.memory_space<vmem>>, vector<16xi32>,
      tpu.vector_store %arg8[%parallel_loop3A_67], %parallel_loop3A_66 {strides = array<i32>} : memref<32768xi32, #tpu.memory_space<vmem>>, vector<16xi32>,
    } {sc.loop_unroll_factor = 8 : i64, sc.parallel_access}
    %dma_start3A_18 = arith.constant 0 : i32
    %dma_start3A_19 = tpu.memref_slice %arg10[%dma_start3A_18] : memref<4096xf32, #tpu.memory_space<vmem>> -> memref<4096xf32, #tpu.memory_space<vmem>>
    %dma_start3A_20 = arith.constant 0 : i32
    %dma_start3A_21 = tpu.memref_slice %arg8[%dma_start3A_20] : memref<32768xi32, #tpu.memory_space<vmem>> -> memref<4096xi32, #tpu.memory_space<vmem>>
    %dma_start3A_22 = arith.constant 0 : i32
    %dma_start3A_23 = tpu.memref_slice %arg2[%dma_start3A_22] : memref<12800000xf32, #tpu.memory_space<hbm>> -> memref<12800000xf32, #tpu.memory_space<hbm>>
    tpu.enqueue_indirect_dma source(%dma_start3A_23 : memref<12800000xf32, #tpu.memory_space<hbm>>) target(%dma_start3A_19 : memref<4096xf32, #tpu.memory_space<vmem>>) offsets(%dma_start3A_21 : memref<4096xi32, #tpu.memory_space<vmem>>) semaphore(%arg15 : memref<!tpu.dma_semaphore, #tpu.memory_space<semaphore_mem>>)
    %parallel_loop3A_24 = arith.constant 0 : i32
    %parallel_loop3A_25 = arith.constant 4096 : i32
    %parallel_loop3A_26 = arith.constant 16 : i32
    scf.for %parallel_loop3A_55 = %parallel_loop3A_24 to %parallel_loop3A_25 step %parallel_loop3A_26  : i32 {
      %parallel_loop3A_56 = arith.constant 4096 : i32
      %parallel_loop3A_57 = arith.addi %parallel_loop3A_56, %parallel_loop3A_55 : i32
      %parallel_loop3A_58 = tpu.assume_multiple %parallel_loop3A_57, 16 : i32
      %parallel_loop3A_59 = arith.index_cast %parallel_loop3A_58 : i32 to index
      %parallel_loop3A_60 = tpu.vector_load %arg7[%parallel_loop3A_59] {strides = array<i32>} : memref<32768xi32, #tpu.memory_space<vmem>>, vector<16xi32>,
      %parallel_loop3A_61 = arith.constant 128 : i32
      %parallel_loop3A_62 = vector.broadcast %parallel_loop3A_61 : i32 to vector<16xi32>
      %parallel_loop3A_63 = arith.muli %parallel_loop3A_60, %parallel_loop3A_62 : vector<16xi32>
      %parallel_loop3A_64 = arith.index_cast %parallel_loop3A_58 : i32 to index
      %parallel_loop3A_65 = tpu.vector_load %arg8[%parallel_loop3A_64] {strides = array<i32>} : memref<32768xi32, #tpu.memory_space<vmem>>, vector<16xi32>,
      %parallel_loop3A_66 = arith.addi %parallel_loop3A_63, %parallel_loop3A_65 : vector<16xi32>
      %parallel_loop3A_67 = arith.index_cast %parallel_loop3A_58 : i32 to index
      %parallel_loop3A_68 = tpu.vector_load %arg8[%parallel_loop3A_67] {strides = array<i32>} : memref<32768xi32, #tpu.memory_space<vmem>>, vector<16xi32>,
      tpu.vector_store %arg8[%parallel_loop3A_67], %parallel_loop3A_66 {strides = array<i32>} : memref<32768xi32, #tpu.memory_space<vmem>>, vector<16xi32>,
    } {sc.loop_unroll_factor = 8 : i64, sc.parallel_access}
    %dma_start3A_27 = arith.constant 0 : i32
    %dma_start3A_28 = tpu.memref_slice %arg11[%dma_start3A_27] : memref<4096xf32, #tpu.memory_space<vmem>> -> memref<4096xf32, #tpu.memory_space<vmem>>
    %dma_start3A_29 = arith.constant 4096 : i32
    %dma_start3A_30 = tpu.memref_slice %arg8[%dma_start3A_29] : memref<32768xi32, #tpu.memory_space<vmem>> -> memref<4096xi32, #tpu.memory_space<vmem>>
    %dma_start3A_31 = arith.constant 0 : i32
    %dma_start3A_32 = tpu.memref_slice %arg2[%dma_start3A_31] : memref<12800000xf32, #tpu.memory_space<hbm>> -> memref<12800000xf32, #tpu.memory_space<hbm>>
    tpu.enqueue_indirect_dma source(%dma_start3A_32 : memref<12800000xf32, #tpu.memory_space<hbm>>) target(%dma_start3A_28 : memref<4096xf32, #tpu.memory_space<vmem>>) offsets(%dma_start3A_30 : memref<4096xi32, #tpu.memory_space<vmem>>) semaphore(%arg16 : memref<!tpu.dma_semaphore, #tpu.memory_space<semaphore_mem>>)
    %broadcast_in_dim3A = arith.constant 0.000000e+00 : f32
    %broadcast_in_dim3A_33 = vector.broadcast %broadcast_in_dim3A : f32 to vector<16xf32>
    %scan3A = arith.constant 0 : i32
    %scan3A_34 = arith.constant 4 : i32
    %scan3A_35 = arith.addi %scan3A, %scan3A_34 : i32
    %scan3A_36 = arith.constant 1 : i32
    %scan3A_37:8 = scf.for %scan3A_55 = %scan3A to %scan3A_35 step %scan3A_36 iter_args(%scan3A_56 = %broadcast_in_dim3A_33, %scan3A_57 = %broadcast_in_dim3A_33, %scan3A_58 = %broadcast_in_dim3A_33, %scan3A_59 = %broadcast_in_dim3A_33, %scan3A_60 = %broadcast_in_dim3A_33, %scan3A_61 = %broadcast_in_dim3A_33, %scan3A_62 = %broadcast_in_dim3A_33, %scan3A_63 = %broadcast_in_dim3A_33) -> (vector<16xf32>, vector<16xf32>, vector<16xf32>, vector<16xf32>, vector<16xf32>, vector<16xf32>, vector<16xf32>, vector<16xf32>)  : i32 {
      %mul3A_64 = arith.constant 2 : i32
      %mul3A_65 = arith.muli %scan3A_55, %mul3A_64 : i32
      %lt3A = arith.constant 3 : i32
      %lt3A_66 = arith.cmpi slt, %scan3A_55, %lt3A : i32
      %convert_element_type3A = arith.extui %lt3A_66 : i1 to i32
      %cond3A = arith.constant 0 : i32
      %cond3A_67 = arith.cmpi ne, %convert_element_type3A, %cond3A : i32
      scf.if %cond3A_67 {
        %add3A_108 = arith.constant 2 : i32
        %add3A_109 = arith.addi %mul3A_65, %add3A_108 : i32
        %parallel_loop3A_110 = arith.constant 0 : i32
        %parallel_loop3A_111 = arith.constant 4096 : i32
        %parallel_loop3A_112 = arith.constant 16 : i32
        scf.for %parallel_loop3A_113 = %parallel_loop3A_110 to %parallel_loop3A_111 step %parallel_loop3A_112  : i32 {
          %parallel_loop3A_114 = arith.constant 4096 : i32
          %parallel_loop3A_115 = arith.muli %add3A_109, %parallel_loop3A_114 : i32
          %parallel_loop3A_116 = arith.addi %parallel_loop3A_115, %parallel_loop3A_113 : i32
          %parallel_loop3A_117 = tpu.assume_multiple %parallel_loop3A_116, 16 : i32
          %parallel_loop3A_118 = arith.index_cast %parallel_loop3A_117 : i32 to index
          %parallel_loop3A_119 = tpu.vector_load %arg7[%parallel_loop3A_118] {strides = array<i32>} : memref<32768xi32, #tpu.memory_space<vmem>>, vector<16xi32>,
          %parallel_loop3A_120 = arith.constant 128 : i32
          %parallel_loop3A_121 = vector.broadcast %parallel_loop3A_120 : i32 to vector<16xi32>
          %parallel_loop3A_122 = arith.muli %parallel_loop3A_119, %parallel_loop3A_121 : vector<16xi32>
          %parallel_loop3A_123 = arith.index_cast %parallel_loop3A_117 : i32 to index
          %parallel_loop3A_124 = tpu.vector_load %arg8[%parallel_loop3A_123] {strides = array<i32>} : memref<32768xi32, #tpu.memory_space<vmem>>, vector<16xi32>,
          %parallel_loop3A_125 = arith.addi %parallel_loop3A_122, %parallel_loop3A_124 : vector<16xi32>
          %parallel_loop3A_126 = arith.index_cast %parallel_loop3A_117 : i32 to index
          %parallel_loop3A_127 = tpu.vector_load %arg8[%parallel_loop3A_126] {strides = array<i32>} : memref<32768xi32, #tpu.memory_space<vmem>>, vector<16xi32>,
          tpu.vector_store %arg8[%parallel_loop3A_126], %parallel_loop3A_125 {strides = array<i32>} : memref<32768xi32, #tpu.memory_space<vmem>>, vector<16xi32>,
        } {sc.loop_unroll_factor = 8 : i64, sc.parallel_access}
      } else {
      }
      %mul3A_68 = arith.constant 4096 : i32
      %mul3A_69 = arith.muli %mul3A_65, %mul3A_68 : i32
      %add3A_70 = arith.constant 0 : i32
      %add3A_71 = arith.addi %mul3A_69, %add3A_70 : i32
      %dma_wait3A_72 = arith.constant 0 : i32
      %dma_wait3A_73 = tpu.memref_slice %arg10[%dma_wait3A_72] : memref<4096xf32, #tpu.memory_space<vmem>> -> memref<4096xf32, #tpu.memory_space<vmem>>
      %dma_wait3A_74 = tpu.memref_slice %arg8[%add3A_71] : memref<32768xi32, #tpu.memory_space<vmem>> -> memref<4096xi32, #tpu.memory_space<vmem>>
      %dma_wait3A_75 = arith.constant 0 : i32
      %dma_wait3A_76 = tpu.memref_slice %arg2[%dma_wait3A_75] : memref<12800000xf32, #tpu.memory_space<hbm>> -> memref<12800000xf32, #tpu.memory_space<hbm>>
      tpu.wait_indirect_dma semaphore(%arg15 : memref<!tpu.dma_semaphore, #tpu.memory_space<semaphore_mem>>) src(%dma_wait3A_76 : memref<12800000xf32, #tpu.memory_space<hbm>>) dst(%dma_wait3A_73 : memref<4096xf32, #tpu.memory_space<vmem>>)
      %parallel_loop3A_77 = arith.constant 0 : i32
      %parallel_loop3A_78 = arith.constant 4096 : i32
      %parallel_loop3A_79 = arith.constant 64 : i32
      %parallel_loop3A_80:8 = scf.for %parallel_loop3A_108 = %parallel_loop3A_77 to %parallel_loop3A_78 step %parallel_loop3A_79 iter_args(%parallel_loop3A_109 = %scan3A_56, %parallel_loop3A_110 = %scan3A_57, %parallel_loop3A_111 = %scan3A_58, %parallel_loop3A_112 = %scan3A_59, %parallel_loop3A_113 = %scan3A_60, %parallel_loop3A_114 = %scan3A_61, %parallel_loop3A_115 = %scan3A_62, %parallel_loop3A_116 = %scan3A_63) -> (vector<16xf32>, vector<16xf32>, vector<16xf32>, vector<16xf32>, vector<16xf32>, vector<16xf32>, vector<16xf32>, vector<16xf32>)  : i32 {
        %parallel_loop3A_117 = arith.constant 4096 : i32
        %parallel_loop3A_118 = arith.muli %mul3A_65, %parallel_loop3A_117 : i32
        %parallel_loop3A_119 = arith.addi %parallel_loop3A_118, %parallel_loop3A_108 : i32
        %parallel_loop3A_120 = arith.constant 0 : i32
        %parallel_loop3A_121 = arith.addi %parallel_loop3A_119, %parallel_loop3A_120 : i32
        %parallel_loop3A_122 = tpu.assume_multiple %parallel_loop3A_121, 16 : i32
        %parallel_loop3A_123 = arith.constant 0 : i32
        %parallel_loop3A_124 = arith.addi %parallel_loop3A_108, %parallel_loop3A_123 : i32
        %parallel_loop3A_125 = tpu.assume_multiple %parallel_loop3A_124, 16 : i32
        %parallel_loop3A_126 = arith.index_cast %parallel_loop3A_122 : i32 to index
        %parallel_loop3A_127 = tpu.vector_load %arg9[%parallel_loop3A_126] {strides = array<i32>} : memref<32768xf32, #tpu.memory_space<vmem>>, vector<16xf32>,
        %parallel_loop3A_128 = arith.index_cast %parallel_loop3A_125 : i32 to index
        %parallel_loop3A_129 = tpu.vector_load %arg10[%parallel_loop3A_128] {strides = array<i32>} : memref<4096xf32, #tpu.memory_space<vmem>>, vector<16xf32>,
        %parallel_loop3A_130 = tpu.bitcast %parallel_loop3A_129 : vector<16xf32> -> vector<16xi32>
        %parallel_loop3A_131 = arith.constant 13 : i32
        %parallel_loop3A_132 = vector.broadcast %parallel_loop3A_131 : i32 to vector<16xi32>
        %parallel_loop3A_133 = arith.shrui %parallel_loop3A_130, %parallel_loop3A_132 : vector<16xi32>
        %parallel_loop3A_134 = arith.constant 1023 : i32
        %parallel_loop3A_135 = vector.broadcast %parallel_loop3A_134 : i32 to vector<16xi32>
        %parallel_loop3A_136 = arith.andi %parallel_loop3A_133, %parallel_loop3A_135 : vector<16xi32>
        %parallel_loop3A_137 = tpu.vector_load_idx %arg13[%parallel_loop3A_136] : memref<1024xf32, #tpu.memory_space<vmem>>[vector<16xi32>], vector<16xf32>,
        %parallel_loop3A_138 = arith.sitofp %parallel_loop3A_130 : vector<16xi32> to vector<16xf32>
        %parallel_loop3A_139 = arith.constant 1.1920929E-7 : f32
        %parallel_loop3A_140 = vector.broadcast %parallel_loop3A_139 : f32 to vector<16xf32>
        %parallel_loop3A_141 = arith.mulf %parallel_loop3A_138, %parallel_loop3A_140 : vector<16xf32>
        %parallel_loop3A_142 = arith.addf %parallel_loop3A_141, %parallel_loop3A_137 : vector<16xf32>
        %parallel_loop3A_143 = arith.mulf %parallel_loop3A_127, %parallel_loop3A_142 : vector<16xf32>
        %parallel_loop3A_144 = arith.addf %parallel_loop3A_109, %parallel_loop3A_143 : vector<16xf32>
        %parallel_loop3A_145 = arith.addf %parallel_loop3A_110, %parallel_loop3A_127 : vector<16xf32>
        %parallel_loop3A_146 = arith.constant 4096 : i32
        %parallel_loop3A_147 = arith.muli %mul3A_65, %parallel_loop3A_146 : i32
        %parallel_loop3A_148 = arith.addi %parallel_loop3A_147, %parallel_loop3A_108 : i32
        %parallel_loop3A_149 = arith.constant 16 : i32
        %parallel_loop3A_150 = arith.addi %parallel_loop3A_148, %parallel_loop3A_149 : i32
        %parallel_loop3A_151 = tpu.assume_multiple %parallel_loop3A_150, 16 : i32
        %parallel_loop3A_152 = arith.constant 16 : i32
        %parallel_loop3A_153 = arith.addi %parallel_loop3A_108, %parallel_loop3A_152 : i32
        %parallel_loop3A_154 = tpu.assume_multiple %parallel_loop3A_153, 16 : i32
        %parallel_loop3A_155 = arith.index_cast %parallel_loop3A_151 : i32 to index
        %parallel_loop3A_156 = tpu.vector_load %arg9[%parallel_loop3A_155] {strides = array<i32>} : memref<32768xf32, #tpu.memory_space<vmem>>, vector<16xf32>,
        %parallel_loop3A_157 = arith.index_cast %parallel_loop3A_154 : i32 to index
        %parallel_loop3A_158 = tpu.vector_load %arg10[%parallel_loop3A_157] {strides = array<i32>} : memref<4096xf32, #tpu.memory_space<vmem>>, vector<16xf32>,
        %parallel_loop3A_159 = tpu.bitcast %parallel_loop3A_158 : vector<16xf32> -> vector<16xi32>
        %parallel_loop3A_160 = arith.constant 13 : i32
        %parallel_loop3A_161 = vector.broadcast %parallel_loop3A_160 : i32 to vector<16xi32>
        %parallel_loop3A_162 = arith.shrui %parallel_loop3A_159, %parallel_loop3A_161 : vector<16xi32>
        %parallel_loop3A_163 = arith.constant 1023 : i32
        %parallel_loop3A_164 = vector.broadcast %parallel_loop3A_163 : i32 to vector<16xi32>
        %parallel_loop3A_165 = arith.andi %parallel_loop3A_162, %parallel_loop3A_164 : vector<16xi32>
        %parallel_loop3A_166 = tpu.vector_load_idx %arg13[%parallel_loop3A_165] : memref<1024xf32, #tpu.memory_space<vmem>>[vector<16xi32>], vector<16xf32>,
        %parallel_loop3A_167 = arith.sitofp %parallel_loop3A_159 : vector<16xi32> to vector<16xf32>
        %parallel_loop3A_168 = arith.constant 1.1920929E-7 : f32
        %parallel_loop3A_169 = vector.broadcast %parallel_loop3A_168 : f32 to vector<16xf32>
        %parallel_loop3A_170 = arith.mulf %parallel_loop3A_167, %parallel_loop3A_169 : vector<16xf32>
        %parallel_loop3A_171 = arith.addf %parallel_loop3A_170, %parallel_loop3A_166 : vector<16xf32>
        %parallel_loop3A_172 = arith.mulf %parallel_loop3A_156, %parallel_loop3A_171 : vector<16xf32>
        %parallel_loop3A_173 = arith.addf %parallel_loop3A_111, %parallel_loop3A_172 : vector<16xf32>
        %parallel_loop3A_174 = arith.addf %parallel_loop3A_112, %parallel_loop3A_156 : vector<16xf32>
        %parallel_loop3A_175 = arith.constant 4096 : i32
        %parallel_loop3A_176 = arith.muli %mul3A_65, %parallel_loop3A_175 : i32
        %parallel_loop3A_177 = arith.addi %parallel_loop3A_176, %parallel_loop3A_108 : i32
        %parallel_loop3A_178 = arith.constant 32 : i32
        %parallel_loop3A_179 = arith.addi %parallel_loop3A_177, %parallel_loop3A_178 : i32
        %parallel_loop3A_180 = tpu.assume_multiple %parallel_loop3A_179, 16 : i32
        %parallel_loop3A_181 = arith.constant 32 : i32
        %parallel_loop3A_182 = arith.addi %parallel_loop3A_108, %parallel_loop3A_181 : i32
        %parallel_loop3A_183 = tpu.assume_multiple %parallel_loop3A_182, 16 : i32
        %parallel_loop3A_184 = arith.index_cast %parallel_loop3A_180 : i32 to index
        %parallel_loop3A_185 = tpu.vector_load %arg9[%parallel_loop3A_184] {strides = array<i32>} : memref<32768xf32, #tpu.memory_space<vmem>>, vector<16xf32>,
        %parallel_loop3A_186 = arith.index_cast %parallel_loop3A_183 : i32 to index
        %parallel_loop3A_187 = tpu.vector_load %arg10[%parallel_loop3A_186] {strides = array<i32>} : memref<4096xf32, #tpu.memory_space<vmem>>, vector<16xf32>,
        %parallel_loop3A_188 = tpu.bitcast %parallel_loop3A_187 : vector<16xf32> -> vector<16xi32>
        %parallel_loop3A_189 = arith.constant 13 : i32
        %parallel_loop3A_190 = vector.broadcast %parallel_loop3A_189 : i32 to vector<16xi32>
        %parallel_loop3A_191 = arith.shrui %parallel_loop3A_188, %parallel_loop3A_190 : vector<16xi32>
        %parallel_loop3A_192 = arith.constant 1023 : i32
        %parallel_loop3A_193 = vector.broadcast %parallel_loop3A_192 : i32 to vector<16xi32>
        %parallel_loop3A_194 = arith.andi %parallel_loop3A_191, %parallel_loop3A_193 : vector<16xi32>
        %parallel_loop3A_195 = tpu.vector_load_idx %arg13[%parallel_loop3A_194] : memref<1024xf32, #tpu.memory_space<vmem>>[vector<16xi32>], vector<16xf32>,
        %parallel_loop3A_196 = arith.sitofp %parallel_loop3A_188 : vector<16xi32> to vector<16xf32>
        %parallel_loop3A_197 = arith.constant 1.1920929E-7 : f32
        %parallel_loop3A_198 = vector.broadcast %parallel_loop3A_197 : f32 to vector<16xf32>
        %parallel_loop3A_199 = arith.mulf %parallel_loop3A_196, %parallel_loop3A_198 : vector<16xf32>
        %parallel_loop3A_200 = arith.addf %parallel_loop3A_199, %parallel_loop3A_195 : vector<16xf32>
        %parallel_loop3A_201 = arith.mulf %parallel_loop3A_185, %parallel_loop3A_200 : vector<16xf32>
        %parallel_loop3A_202 = arith.addf %parallel_loop3A_113, %parallel_loop3A_201 : vector<16xf32>
        %parallel_loop3A_203 = arith.addf %parallel_loop3A_114, %parallel_loop3A_185 : vector<16xf32>
        %parallel_loop3A_204 = arith.constant 4096 : i32
        %parallel_loop3A_205 = arith.muli %mul3A_65, %parallel_loop3A_204 : i32
        %parallel_loop3A_206 = arith.addi %parallel_loop3A_205, %parallel_loop3A_108 : i32
        %parallel_loop3A_207 = arith.constant 48 : i32
        %parallel_loop3A_208 = arith.addi %parallel_loop3A_206, %parallel_loop3A_207 : i32
        %parallel_loop3A_209 = tpu.assume_multiple %parallel_loop3A_208, 16 : i32
        %parallel_loop3A_210 = arith.constant 48 : i32
        %parallel_loop3A_211 = arith.addi %parallel_loop3A_108, %parallel_loop3A_210 : i32
        %parallel_loop3A_212 = tpu.assume_multiple %parallel_loop3A_211, 16 : i32
        %parallel_loop3A_213 = arith.index_cast %parallel_loop3A_209 : i32 to index
        %parallel_loop3A_214 = tpu.vector_load %arg9[%parallel_loop3A_213] {strides = array<i32>} : memref<32768xf32, #tpu.memory_space<vmem>>, vector<16xf32>,
        %parallel_loop3A_215 = arith.index_cast %parallel_loop3A_212 : i32 to index
        %parallel_loop3A_216 = tpu.vector_load %arg10[%parallel_loop3A_215] {strides = array<i32>} : memref<4096xf32, #tpu.memory_space<vmem>>, vector<16xf32>,
        %parallel_loop3A_217 = tpu.bitcast %parallel_loop3A_216 : vector<16xf32> -> vector<16xi32>
        %parallel_loop3A_218 = arith.constant 13 : i32
        %parallel_loop3A_219 = vector.broadcast %parallel_loop3A_218 : i32 to vector<16xi32>
        %parallel_loop3A_220 = arith.shrui %parallel_loop3A_217, %parallel_loop3A_219 : vector<16xi32>
        %parallel_loop3A_221 = arith.constant 1023 : i32
        %parallel_loop3A_222 = vector.broadcast %parallel_loop3A_221 : i32 to vector<16xi32>
        %parallel_loop3A_223 = arith.andi %parallel_loop3A_220, %parallel_loop3A_222 : vector<16xi32>
        %parallel_loop3A_224 = tpu.vector_load_idx %arg13[%parallel_loop3A_223] : memref<1024xf32, #tpu.memory_space<vmem>>[vector<16xi32>], vector<16xf32>,
        %parallel_loop3A_225 = arith.sitofp %parallel_loop3A_217 : vector<16xi32> to vector<16xf32>
        %parallel_loop3A_226 = arith.constant 1.1920929E-7 : f32
        %parallel_loop3A_227 = vector.broadcast %parallel_loop3A_226 : f32 to vector<16xf32>
        %parallel_loop3A_228 = arith.mulf %parallel_loop3A_225, %parallel_loop3A_227 : vector<16xf32>
        %parallel_loop3A_229 = arith.addf %parallel_loop3A_228, %parallel_loop3A_224 : vector<16xf32>
        %parallel_loop3A_230 = arith.mulf %parallel_loop3A_214, %parallel_loop3A_229 : vector<16xf32>
        %parallel_loop3A_231 = arith.addf %parallel_loop3A_115, %parallel_loop3A_230 : vector<16xf32>
        %parallel_loop3A_232 = arith.addf %parallel_loop3A_116, %parallel_loop3A_214 : vector<16xf32>
        scf.yield %parallel_loop3A_144, %parallel_loop3A_145, %parallel_loop3A_173, %parallel_loop3A_174, %parallel_loop3A_202, %parallel_loop3A_203, %parallel_loop3A_231, %parallel_loop3A_232 : vector<16xf32>, vector<16xf32>, vector<16xf32>, vector<16xf32>, vector<16xf32>, vector<16xf32>, vector<16xf32>, vector<16xf32>
      } {sc.loop_unroll_factor = 1 : i64, sc.parallel_access}
      %lt3A_81 = arith.constant 3 : i32
      %lt3A_82 = arith.cmpi slt, %scan3A_55, %lt3A_81 : i32
      %convert_element_type3A_83 = arith.extui %lt3A_82 : i1 to i32
      %cond3A_84 = arith.constant 0 : i32
      %cond3A_85 = arith.cmpi ne, %convert_element_type3A_83, %cond3A_84 : i32
      scf.if %cond3A_85 {
        %add3A_108 = arith.constant 2 : i32
        %add3A_109 = arith.addi %mul3A_65, %add3A_108 : i32
        %mul3A_110 = arith.constant 4096 : i32
        %mul3A_111 = arith.muli %add3A_109, %mul3A_110 : i32
        %add3A_112 = arith.constant 0 : i32
        %add3A_113 = arith.addi %mul3A_111, %add3A_112 : i32
        %dma_start3A_114 = arith.constant 0 : i32
        %dma_start3A_115 = tpu.memref_slice %arg10[%dma_start3A_114] : memref<4096xf32, #tpu.memory_space<vmem>> -> memref<4096xf32, #tpu.memory_space<vmem>>
        %dma_start3A_116 = tpu.memref_slice %arg8[%add3A_113] : memref<32768xi32, #tpu.memory_space<vmem>> -> memref<4096xi32, #tpu.memory_space<vmem>>
        %dma_start3A_117 = arith.constant 0 : i32
        %dma_start3A_118 = tpu.memref_slice %arg2[%dma_start3A_117] : memref<12800000xf32, #tpu.memory_space<hbm>> -> memref<12800000xf32, #tpu.memory_space<hbm>>
        tpu.enqueue_indirect_dma source(%dma_start3A_118 : memref<12800000xf32, #tpu.memory_space<hbm>>) target(%dma_start3A_115 : memref<4096xf32, #tpu.memory_space<vmem>>) offsets(%dma_start3A_116 : memref<4096xi32, #tpu.memory_space<vmem>>) semaphore(%arg15 : memref<!tpu.dma_semaphore, #tpu.memory_space<semaphore_mem>>)
        %add3A_119 = arith.constant 3 : i32
        %add3A_120 = arith.addi %mul3A_65, %add3A_119 : i32
        %parallel_loop3A_121 = arith.constant 0 : i32
        %parallel_loop3A_122 = arith.constant 4096 : i32
        %parallel_loop3A_123 = arith.constant 16 : i32
        scf.for %parallel_loop3A_124 = %parallel_loop3A_121 to %parallel_loop3A_122 step %parallel_loop3A_123  : i32 {
          %parallel_loop3A_125 = arith.constant 4096 : i32
          %parallel_loop3A_126 = arith.muli %add3A_120, %parallel_loop3A_125 : i32
          %parallel_loop3A_127 = arith.addi %parallel_loop3A_126, %parallel_loop3A_124 : i32
          %parallel_loop3A_128 = tpu.assume_multiple %parallel_loop3A_127, 16 : i32
          %parallel_loop3A_129 = arith.index_cast %parallel_loop3A_128 : i32 to index
          %parallel_loop3A_130 = tpu.vector_load %arg7[%parallel_loop3A_129] {strides = array<i32>} : memref<32768xi32, #tpu.memory_space<vmem>>, vector<16xi32>,
          %parallel_loop3A_131 = arith.constant 128 : i32
          %parallel_loop3A_132 = vector.broadcast %parallel_loop3A_131 : i32 to vector<16xi32>
          %parallel_loop3A_133 = arith.muli %parallel_loop3A_130, %parallel_loop3A_132 : vector<16xi32>
          %parallel_loop3A_134 = arith.index_cast %parallel_loop3A_128 : i32 to index
          %parallel_loop3A_135 = tpu.vector_load %arg8[%parallel_loop3A_134] {strides = array<i32>} : memref<32768xi32, #tpu.memory_space<vmem>>, vector<16xi32>,
          %parallel_loop3A_136 = arith.addi %parallel_loop3A_133, %parallel_loop3A_135 : vector<16xi32>
          %parallel_loop3A_137 = arith.index_cast %parallel_loop3A_128 : i32 to index
          %parallel_loop3A_138 = tpu.vector_load %arg8[%parallel_loop3A_137] {strides = array<i32>} : memref<32768xi32, #tpu.memory_space<vmem>>, vector<16xi32>,
          tpu.vector_store %arg8[%parallel_loop3A_137], %parallel_loop3A_136 {strides = array<i32>} : memref<32768xi32, #tpu.memory_space<vmem>>, vector<16xi32>,
        } {sc.loop_unroll_factor = 8 : i64, sc.parallel_access}
      } else {
      }
      %add3A_86 = arith.constant 1 : i32
      %add3A_87 = arith.addi %mul3A_65, %add3A_86 : i32
      %mul3A_88 = arith.constant 4096 : i32
      %mul3A_89 = arith.muli %add3A_87, %mul3A_88 : i32
      %add3A_90 = arith.constant 0 : i32
      %add3A_91 = arith.addi %mul3A_89, %add3A_90 : i32
      %dma_wait3A_92 = arith.constant 0 : i32
      %dma_wait3A_93 = tpu.memref_slice %arg11[%dma_wait3A_92] : memref<4096xf32, #tpu.memory_space<vmem>> -> memref<4096xf32, #tpu.memory_space<vmem>>
      %dma_wait3A_94 = tpu.memref_slice %arg8[%add3A_91] : memref<32768xi32, #tpu.memory_space<vmem>> -> memref<4096xi32, #tpu.memory_space<vmem>>
      %dma_wait3A_95 = arith.constant 0 : i32
      %dma_wait3A_96 = tpu.memref_slice %arg2[%dma_wait3A_95] : memref<12800000xf32, #tpu.memory_space<hbm>> -> memref<12800000xf32, #tpu.memory_space<hbm>>
      tpu.wait_indirect_dma semaphore(%arg16 : memref<!tpu.dma_semaphore, #tpu.memory_space<semaphore_mem>>) src(%dma_wait3A_96 : memref<12800000xf32, #tpu.memory_space<hbm>>) dst(%dma_wait3A_93 : memref<4096xf32, #tpu.memory_space<vmem>>)
      %add3A_97 = arith.constant 1 : i32
      %add3A_98 = arith.addi %mul3A_65, %add3A_97 : i32
      %parallel_loop3A_99 = arith.constant 0 : i32
      %parallel_loop3A_100 = arith.constant 4096 : i32
      %parallel_loop3A_101 = arith.constant 64 : i32
      %parallel_loop3A_102:8 = scf.for %parallel_loop3A_108 = %parallel_loop3A_99 to %parallel_loop3A_100 step %parallel_loop3A_101 iter_args(%parallel_loop3A_109 = %parallel_loop3A_80#0, %parallel_loop3A_110 = %parallel_loop3A_80#1, %parallel_loop3A_111 = %parallel_loop3A_80#2, %parallel_loop3A_112 = %parallel_loop3A_80#3, %parallel_loop3A_113 = %parallel_loop3A_80#4, %parallel_loop3A_114 = %parallel_loop3A_80#5, %parallel_loop3A_115 = %parallel_loop3A_80#6, %parallel_loop3A_116 = %parallel_loop3A_80#7) -> (vector<16xf32>, vector<16xf32>, vector<16xf32>, vector<16xf32>, vector<16xf32>, vector<16xf32>, vector<16xf32>, vector<16xf32>)  : i32 {
        %parallel_loop3A_117 = arith.constant 4096 : i32
        %parallel_loop3A_118 = arith.muli %add3A_98, %parallel_loop3A_117 : i32
        %parallel_loop3A_119 = arith.addi %parallel_loop3A_118, %parallel_loop3A_108 : i32
        %parallel_loop3A_120 = arith.constant 0 : i32
        %parallel_loop3A_121 = arith.addi %parallel_loop3A_119, %parallel_loop3A_120 : i32
        %parallel_loop3A_122 = tpu.assume_multiple %parallel_loop3A_121, 16 : i32
        %parallel_loop3A_123 = arith.constant 0 : i32
        %parallel_loop3A_124 = arith.addi %parallel_loop3A_108, %parallel_loop3A_123 : i32
        %parallel_loop3A_125 = tpu.assume_multiple %parallel_loop3A_124, 16 : i32
        %parallel_loop3A_126 = arith.index_cast %parallel_loop3A_122 : i32 to index
        %parallel_loop3A_127 = tpu.vector_load %arg9[%parallel_loop3A_126] {strides = array<i32>} : memref<32768xf32, #tpu.memory_space<vmem>>, vector<16xf32>,
        %parallel_loop3A_128 = arith.index_cast %parallel_loop3A_125 : i32 to index
        %parallel_loop3A_129 = tpu.vector_load %arg11[%parallel_loop3A_128] {strides = array<i32>} : memref<4096xf32, #tpu.memory_space<vmem>>, vector<16xf32>,
        %parallel_loop3A_130 = tpu.bitcast %parallel_loop3A_129 : vector<16xf32> -> vector<16xi32>
        %parallel_loop3A_131 = arith.constant 13 : i32
        %parallel_loop3A_132 = vector.broadcast %parallel_loop3A_131 : i32 to vector<16xi32>
        %parallel_loop3A_133 = arith.shrui %parallel_loop3A_130, %parallel_loop3A_132 : vector<16xi32>
        %parallel_loop3A_134 = arith.constant 1023 : i32
        %parallel_loop3A_135 = vector.broadcast %parallel_loop3A_134 : i32 to vector<16xi32>
        %parallel_loop3A_136 = arith.andi %parallel_loop3A_133, %parallel_loop3A_135 : vector<16xi32>
        %parallel_loop3A_137 = tpu.vector_load_idx %arg13[%parallel_loop3A_136] : memref<1024xf32, #tpu.memory_space<vmem>>[vector<16xi32>], vector<16xf32>,
        %parallel_loop3A_138 = arith.sitofp %parallel_loop3A_130 : vector<16xi32> to vector<16xf32>
        %parallel_loop3A_139 = arith.constant 1.1920929E-7 : f32
        %parallel_loop3A_140 = vector.broadcast %parallel_loop3A_139 : f32 to vector<16xf32>
        %parallel_loop3A_141 = arith.mulf %parallel_loop3A_138, %parallel_loop3A_140 : vector<16xf32>
        %parallel_loop3A_142 = arith.addf %parallel_loop3A_141, %parallel_loop3A_137 : vector<16xf32>
        %parallel_loop3A_143 = arith.mulf %parallel_loop3A_127, %parallel_loop3A_142 : vector<16xf32>
        %parallel_loop3A_144 = arith.addf %parallel_loop3A_109, %parallel_loop3A_143 : vector<16xf32>
        %parallel_loop3A_145 = arith.addf %parallel_loop3A_110, %parallel_loop3A_127 : vector<16xf32>
        %parallel_loop3A_146 = arith.constant 4096 : i32
        %parallel_loop3A_147 = arith.muli %add3A_98, %parallel_loop3A_146 : i32
        %parallel_loop3A_148 = arith.addi %parallel_loop3A_147, %parallel_loop3A_108 : i32
        %parallel_loop3A_149 = arith.constant 16 : i32
        %parallel_loop3A_150 = arith.addi %parallel_loop3A_148, %parallel_loop3A_149 : i32
        %parallel_loop3A_151 = tpu.assume_multiple %parallel_loop3A_150, 16 : i32
        %parallel_loop3A_152 = arith.constant 16 : i32
        %parallel_loop3A_153 = arith.addi %parallel_loop3A_108, %parallel_loop3A_152 : i32
        %parallel_loop3A_154 = tpu.assume_multiple %parallel_loop3A_153, 16 : i32
        %parallel_loop3A_155 = arith.index_cast %parallel_loop3A_151 : i32 to index
        %parallel_loop3A_156 = tpu.vector_load %arg9[%parallel_loop3A_155] {strides = array<i32>} : memref<32768xf32, #tpu.memory_space<vmem>>, vector<16xf32>,
        %parallel_loop3A_157 = arith.index_cast %parallel_loop3A_154 : i32 to index
        %parallel_loop3A_158 = tpu.vector_load %arg11[%parallel_loop3A_157] {strides = array<i32>} : memref<4096xf32, #tpu.memory_space<vmem>>, vector<16xf32>,
        %parallel_loop3A_159 = tpu.bitcast %parallel_loop3A_158 : vector<16xf32> -> vector<16xi32>
        %parallel_loop3A_160 = arith.constant 13 : i32
        %parallel_loop3A_161 = vector.broadcast %parallel_loop3A_160 : i32 to vector<16xi32>
        %parallel_loop3A_162 = arith.shrui %parallel_loop3A_159, %parallel_loop3A_161 : vector<16xi32>
        %parallel_loop3A_163 = arith.constant 1023 : i32
        %parallel_loop3A_164 = vector.broadcast %parallel_loop3A_163 : i32 to vector<16xi32>
        %parallel_loop3A_165 = arith.andi %parallel_loop3A_162, %parallel_loop3A_164 : vector<16xi32>
        %parallel_loop3A_166 = tpu.vector_load_idx %arg13[%parallel_loop3A_165] : memref<1024xf32, #tpu.memory_space<vmem>>[vector<16xi32>], vector<16xf32>,
        %parallel_loop3A_167 = arith.sitofp %parallel_loop3A_159 : vector<16xi32> to vector<16xf32>
        %parallel_loop3A_168 = arith.constant 1.1920929E-7 : f32
        %parallel_loop3A_169 = vector.broadcast %parallel_loop3A_168 : f32 to vector<16xf32>
        %parallel_loop3A_170 = arith.mulf %parallel_loop3A_167, %parallel_loop3A_169 : vector<16xf32>
        %parallel_loop3A_171 = arith.addf %parallel_loop3A_170, %parallel_loop3A_166 : vector<16xf32>
        %parallel_loop3A_172 = arith.mulf %parallel_loop3A_156, %parallel_loop3A_171 : vector<16xf32>
        %parallel_loop3A_173 = arith.addf %parallel_loop3A_111, %parallel_loop3A_172 : vector<16xf32>
        %parallel_loop3A_174 = arith.addf %parallel_loop3A_112, %parallel_loop3A_156 : vector<16xf32>
        %parallel_loop3A_175 = arith.constant 4096 : i32
        %parallel_loop3A_176 = arith.muli %add3A_98, %parallel_loop3A_175 : i32
        %parallel_loop3A_177 = arith.addi %parallel_loop3A_176, %parallel_loop3A_108 : i32
        %parallel_loop3A_178 = arith.constant 32 : i32
        %parallel_loop3A_179 = arith.addi %parallel_loop3A_177, %parallel_loop3A_178 : i32
        %parallel_loop3A_180 = tpu.assume_multiple %parallel_loop3A_179, 16 : i32
        %parallel_loop3A_181 = arith.constant 32 : i32
        %parallel_loop3A_182 = arith.addi %parallel_loop3A_108, %parallel_loop3A_181 : i32
        %parallel_loop3A_183 = tpu.assume_multiple %parallel_loop3A_182, 16 : i32
        %parallel_loop3A_184 = arith.index_cast %parallel_loop3A_180 : i32 to index
        %parallel_loop3A_185 = tpu.vector_load %arg9[%parallel_loop3A_184] {strides = array<i32>} : memref<32768xf32, #tpu.memory_space<vmem>>, vector<16xf32>,
        %parallel_loop3A_186 = arith.index_cast %parallel_loop3A_183 : i32 to index
        %parallel_loop3A_187 = tpu.vector_load %arg11[%parallel_loop3A_186] {strides = array<i32>} : memref<4096xf32, #tpu.memory_space<vmem>>, vector<16xf32>,
        %parallel_loop3A_188 = tpu.bitcast %parallel_loop3A_187 : vector<16xf32> -> vector<16xi32>
        %parallel_loop3A_189 = arith.constant 13 : i32
        %parallel_loop3A_190 = vector.broadcast %parallel_loop3A_189 : i32 to vector<16xi32>
        %parallel_loop3A_191 = arith.shrui %parallel_loop3A_188, %parallel_loop3A_190 : vector<16xi32>
        %parallel_loop3A_192 = arith.constant 1023 : i32
        %parallel_loop3A_193 = vector.broadcast %parallel_loop3A_192 : i32 to vector<16xi32>
        %parallel_loop3A_194 = arith.andi %parallel_loop3A_191, %parallel_loop3A_193 : vector<16xi32>
        %parallel_loop3A_195 = tpu.vector_load_idx %arg13[%parallel_loop3A_194] : memref<1024xf32, #tpu.memory_space<vmem>>[vector<16xi32>], vector<16xf32>,
        %parallel_loop3A_196 = arith.sitofp %parallel_loop3A_188 : vector<16xi32> to vector<16xf32>
        %parallel_loop3A_197 = arith.constant 1.1920929E-7 : f32
        %parallel_loop3A_198 = vector.broadcast %parallel_loop3A_197 : f32 to vector<16xf32>
        %parallel_loop3A_199 = arith.mulf %parallel_loop3A_196, %parallel_loop3A_198 : vector<16xf32>
        %parallel_loop3A_200 = arith.addf %parallel_loop3A_199, %parallel_loop3A_195 : vector<16xf32>
        %parallel_loop3A_201 = arith.mulf %parallel_loop3A_185, %parallel_loop3A_200 : vector<16xf32>
        %parallel_loop3A_202 = arith.addf %parallel_loop3A_113, %parallel_loop3A_201 : vector<16xf32>
        %parallel_loop3A_203 = arith.addf %parallel_loop3A_114, %parallel_loop3A_185 : vector<16xf32>
        %parallel_loop3A_204 = arith.constant 4096 : i32
        %parallel_loop3A_205 = arith.muli %add3A_98, %parallel_loop3A_204 : i32
        %parallel_loop3A_206 = arith.addi %parallel_loop3A_205, %parallel_loop3A_108 : i32
        %parallel_loop3A_207 = arith.constant 48 : i32
        %parallel_loop3A_208 = arith.addi %parallel_loop3A_206, %parallel_loop3A_207 : i32
        %parallel_loop3A_209 = tpu.assume_multiple %parallel_loop3A_208, 16 : i32
        %parallel_loop3A_210 = arith.constant 48 : i32
        %parallel_loop3A_211 = arith.addi %parallel_loop3A_108, %parallel_loop3A_210 : i32
        %parallel_loop3A_212 = tpu.assume_multiple %parallel_loop3A_211, 16 : i32
        %parallel_loop3A_213 = arith.index_cast %parallel_loop3A_209 : i32 to index
        %parallel_loop3A_214 = tpu.vector_load %arg9[%parallel_loop3A_213] {strides = array<i32>} : memref<32768xf32, #tpu.memory_space<vmem>>, vector<16xf32>,
        %parallel_loop3A_215 = arith.index_cast %parallel_loop3A_212 : i32 to index
        %parallel_loop3A_216 = tpu.vector_load %arg11[%parallel_loop3A_215] {strides = array<i32>} : memref<4096xf32, #tpu.memory_space<vmem>>, vector<16xf32>,
        %parallel_loop3A_217 = tpu.bitcast %parallel_loop3A_216 : vector<16xf32> -> vector<16xi32>
        %parallel_loop3A_218 = arith.constant 13 : i32
        %parallel_loop3A_219 = vector.broadcast %parallel_loop3A_218 : i32 to vector<16xi32>
        %parallel_loop3A_220 = arith.shrui %parallel_loop3A_217, %parallel_loop3A_219 : vector<16xi32>
        %parallel_loop3A_221 = arith.constant 1023 : i32
        %parallel_loop3A_222 = vector.broadcast %parallel_loop3A_221 : i32 to vector<16xi32>
        %parallel_loop3A_223 = arith.andi %parallel_loop3A_220, %parallel_loop3A_222 : vector<16xi32>
        %parallel_loop3A_224 = tpu.vector_load_idx %arg13[%parallel_loop3A_223] : memref<1024xf32, #tpu.memory_space<vmem>>[vector<16xi32>], vector<16xf32>,
        %parallel_loop3A_225 = arith.sitofp %parallel_loop3A_217 : vector<16xi32> to vector<16xf32>
        %parallel_loop3A_226 = arith.constant 1.1920929E-7 : f32
        %parallel_loop3A_227 = vector.broadcast %parallel_loop3A_226 : f32 to vector<16xf32>
        %parallel_loop3A_228 = arith.mulf %parallel_loop3A_225, %parallel_loop3A_227 : vector<16xf32>
        %parallel_loop3A_229 = arith.addf %parallel_loop3A_228, %parallel_loop3A_224 : vector<16xf32>
        %parallel_loop3A_230 = arith.mulf %parallel_loop3A_214, %parallel_loop3A_229 : vector<16xf32>
        %parallel_loop3A_231 = arith.addf %parallel_loop3A_115, %parallel_loop3A_230 : vector<16xf32>
        %parallel_loop3A_232 = arith.addf %parallel_loop3A_116, %parallel_loop3A_214 : vector<16xf32>
        scf.yield %parallel_loop3A_144, %parallel_loop3A_145, %parallel_loop3A_173, %parallel_loop3A_174, %parallel_loop3A_202, %parallel_loop3A_203, %parallel_loop3A_231, %parallel_loop3A_232 : vector<16xf32>, vector<16xf32>, vector<16xf32>, vector<16xf32>, vector<16xf32>, vector<16xf32>, vector<16xf32>, vector<16xf32>
      } {sc.loop_unroll_factor = 1 : i64, sc.parallel_access}
      %lt3A_103 = arith.constant 3 : i32
      %lt3A_104 = arith.cmpi slt, %scan3A_55, %lt3A_103 : i32
      %convert_element_type3A_105 = arith.extui %lt3A_104 : i1 to i32
      %cond3A_106 = arith.constant 0 : i32
      %cond3A_107 = arith.cmpi ne, %convert_element_type3A_105, %cond3A_106 : i32
      scf.if %cond3A_107 {
        %add3A_108 = arith.constant 3 : i32
        %add3A_109 = arith.addi %mul3A_65, %add3A_108 : i32
        %mul3A_110 = arith.constant 4096 : i32
        %mul3A_111 = arith.muli %add3A_109, %mul3A_110 : i32
        %add3A_112 = arith.constant 0 : i32
        %add3A_113 = arith.addi %mul3A_111, %add3A_112 : i32
        %dma_start3A_114 = arith.constant 0 : i32
        %dma_start3A_115 = tpu.memref_slice %arg11[%dma_start3A_114] : memref<4096xf32, #tpu.memory_space<vmem>> -> memref<4096xf32, #tpu.memory_space<vmem>>
        %dma_start3A_116 = tpu.memref_slice %arg8[%add3A_113] : memref<32768xi32, #tpu.memory_space<vmem>> -> memref<4096xi32, #tpu.memory_space<vmem>>
        %dma_start3A_117 = arith.constant 0 : i32
        %dma_start3A_118 = tpu.memref_slice %arg2[%dma_start3A_117] : memref<12800000xf32, #tpu.memory_space<hbm>> -> memref<12800000xf32, #tpu.memory_space<hbm>>
        tpu.enqueue_indirect_dma source(%dma_start3A_118 : memref<12800000xf32, #tpu.memory_space<hbm>>) target(%dma_start3A_115 : memref<4096xf32, #tpu.memory_space<vmem>>) offsets(%dma_start3A_116 : memref<4096xi32, #tpu.memory_space<vmem>>) semaphore(%arg16 : memref<!tpu.dma_semaphore, #tpu.memory_space<semaphore_mem>>)
      } else {
      }
      scf.yield %parallel_loop3A_102#0, %parallel_loop3A_102#1, %parallel_loop3A_102#2, %parallel_loop3A_102#3, %parallel_loop3A_102#4, %parallel_loop3A_102#5, %parallel_loop3A_102#6, %parallel_loop3A_102#7 : vector<16xf32>, vector<16xf32>, vector<16xf32>, vector<16xf32>, vector<16xf32>, vector<16xf32>, vector<16xf32>, vector<16xf32>
    }
    %scan3A_38 = arith.constant 4 : i32
    %add3A_39 = arith.addf %scan3A_37#0, %scan3A_37#2 : vector<16xf32>
    %add3A_40 = arith.addf %add3A_39, %scan3A_37#4 : vector<16xf32>
    %add3A_41 = arith.addf %add3A_40, %scan3A_37#6 : vector<16xf32>
    %add3A_42 = arith.addf %scan3A_37#1, %scan3A_37#3 : vector<16xf32>
    %add3A_43 = arith.addf %add3A_42, %scan3A_37#5 : vector<16xf32>
    %add3A_44 = arith.addf %add3A_43, %scan3A_37#7 : vector<16xf32>
    %mul3A_45 = arith.constant 1.270000e+02 : f32
    %mul3A_46 = vector.broadcast %mul3A_45 : f32 to vector<16xf32>
    %mul3A_47 = arith.mulf %mul3A_46, %add3A_44 : vector<16xf32>
    %sub3A = arith.subf %add3A_41, %mul3A_47 : vector<16xf32>
    %swap3A = arith.constant 0 : i32
    %swap3A_48 = arith.index_cast %swap3A : i32 to index
    %swap3A_49 = arith.constant 0 : index
    %swap3A_50 = tpu.vector_load %arg12[%swap3A_48, %swap3A_49] {strides = array<i32>} : memref<2x16xf32, #tpu.memory_space<vmem>>, vector<16xf32>,
    tpu.vector_store %arg12[%swap3A_48, %swap3A_49], %sub3A {strides = array<i32>} : memref<2x16xf32, #tpu.memory_space<vmem>>, vector<16xf32>,
    %swap3A_51 = arith.constant 1 : i32
    %swap3A_52 = arith.index_cast %swap3A_51 : i32 to index
    %swap3A_53 = arith.constant 0 : index
    %swap3A_54 = tpu.vector_load %arg12[%swap3A_52, %swap3A_53] {strides = array<i32>} : memref<2x16xf32, #tpu.memory_space<vmem>>, vector<16xf32>,
    tpu.vector_store %arg12[%swap3A_52, %swap3A_53], %add3A_44 {strides = array<i32>} : memref<2x16xf32, #tpu.memory_space<vmem>>, vector<16xf32>,
    "tpu.region"() ({
      %run_scoped3A = tpu.sem_alloc : memref<!tpu.dma_semaphore, #tpu.memory_space<semaphore_mem>>
      %dma_start3A_55 = arith.constant 0 : i32
      %dma_start3A_56 = arith.constant 0 : i32
      %dma_start3A_57 = tpu.memref_slice %arg6[%add3A, %dma_start3A_55, %dma_start3A_56] : memref<32x2x16xf32, #tpu.memory_space<hbm>> -> memref<1x2x16xf32, #tpu.memory_space<hbm>>
      %dma_start3A_58 = tpu.memref_squeeze %dma_start3A_57 : memref<1x2x16xf32, #tpu.memory_space<hbm>> -> memref<2x16xf32, #tpu.memory_space<hbm>>
      %dma_start3A_59 = arith.constant 0 : i32
      %dma_start3A_60 = arith.constant 0 : i32
      %dma_start3A_61 = tpu.memref_slice %arg6[%add3A, %dma_start3A_59, %dma_start3A_60] : memref<32x2x16xf32, #tpu.memory_space<hbm>> -> memref<1x2x16xf32, #tpu.memory_space<hbm>>
      %dma_start3A_62 = tpu.memref_squeeze %dma_start3A_61 : memref<1x2x16xf32, #tpu.memory_space<hbm>> -> memref<2x16xf32, #tpu.memory_space<hbm>>
      tpu.enqueue_dma source(%arg12 : memref<2x16xf32, #tpu.memory_space<vmem>>) target(%dma_start3A_62 : memref<2x16xf32, #tpu.memory_space<hbm>>) target_semaphore(%run_scoped3A : memref<!tpu.dma_semaphore, #tpu.memory_space<semaphore_mem>>)
      %dma_wait3A_63 = arith.constant 0 : i32
      %dma_wait3A_64 = arith.constant 0 : i32
      %dma_wait3A_65 = tpu.memref_slice %arg6[%add3A, %dma_wait3A_63, %dma_wait3A_64] : memref<32x2x16xf32, #tpu.memory_space<hbm>> -> memref<1x2x16xf32, #tpu.memory_space<hbm>>
      %dma_wait3A_66 = tpu.memref_squeeze %dma_wait3A_65 : memref<1x2x16xf32, #tpu.memory_space<hbm>> -> memref<2x16xf32, #tpu.memory_space<hbm>>
      %dma_wait3A_67 = arith.constant 0 : i32
      %dma_wait3A_68 = arith.constant 0 : i32
      %dma_wait3A_69 = tpu.memref_slice %arg6[%add3A, %dma_wait3A_67, %dma_wait3A_68] : memref<32x2x16xf32, #tpu.memory_space<hbm>> -> memref<1x2x16xf32, #tpu.memory_space<hbm>>
      %dma_wait3A_70 = tpu.memref_squeeze %dma_wait3A_69 : memref<1x2x16xf32, #tpu.memory_space<hbm>> -> memref<2x16xf32, #tpu.memory_space<hbm>>
      tpu.wait_dma2 semaphore(%run_scoped3A : memref<!tpu.dma_semaphore, #tpu.memory_space<semaphore_mem>>) src(%arg12 : memref<2x16xf32, #tpu.memory_space<vmem>>) dst(%dma_wait3A_70 : memref<2x16xf32, #tpu.memory_space<hbm>>)
      tpu.yield
    }) : () -> ()
    return
  }
}

</mosaic_0001>

<sc_bundles>
// kernel: kernel.3.cloned.1.call-start
scs
__scs_entry_jumppad:
0x0: {  	(pc) =	sbr.rel $0x88, $3  }
0x1: {  	(tag) =	ssettag $0x0;
	lr =	simm.s32 $0x1  }
0x2: {  	[smem:$0x3F9D] =	sst lr;
	_ =	strace $0xD0000000  }
0x3: {  	_ = 	snop  }
0x4: {  	_ = 	snop  }
0x5: {  	_ = 	snop  }
0x6: {  	_ = 	snop  }
0x7: {  	_ = 	snop  }
__scs_overlays_trampoline_lowered:
0x8: {  	[smem:$0x3FAC] =	sst s0  }
0x9: {  	[smem:$0x3FAD] =	sst s1  }
0xa: {  	[smem:$0x3FAE] =	sst s2  }
0xb: {  	[smem:$0x3FAF] =	sst s3  }
0xc: {  	[smem:$0x3FB0] =	sst s4  }
0xd: {  	[smem:$0x3FB1] =	sst s5  }
0xe: {  	[smem:$0x3FB2] =	sst s6  }
0xf: {  	[smem:$0x3FB3] =	sst s7  }
0x10: {  	[smem:$0x3FB4] =	sst s8  }
0x11: {  	[smem:$0x3FB5] =	sst s9;
	s0 =	simm.s32 @!p0 $0x0  }
0x12: {  	s1 =	sld [smem:$0x3F9B];
	s0 =	simm.s32 @p0 $0x1  }
0x13: {  	[smem:$0x3FB6] =	sst s0;
	s0 =	simm.s32 @!p1 $0x0  }
0x14: {  	s2 =	sld [smem:$0x3F9A];
	s0 =	simm.s32 @p1 $0x1  }
0x15: {  	[smem:$0x3FB7] =	sst s0;
	s0 =	simm.s32 @!p2 $0x0  }
0x16: {  	s3 =	sld [smem:$0x3FDB];
	s0 =	simm.s32 @p2 $0x1  }
0x17: {  	s4 =	simm.s32 $0x1BF5;
	[smem:$0x3FB9] =	sst s0  }
0x18: {  	s0 =	sld [smem:$0x3F9C];
	_ =	swait.ge [sflag:s4], $0x0  }
0x19: {  	s7 =	sld [smem:$0x3F9D]  }
0x1a: {  	s8 =	sadd.s32 $0xFFFFE003, lr  }
0x1b: {  	s9 =	sadd.s32 $0xFFFFFEF7, lr;
	s5 =	simm.s32 $0xFFFFFFFF;
	p2 =	slt.u32 s8, $0xFFFFF086  }
0x1c: {  	p1 =	slt.u32 s9, $0xF7A;
	s5 =	simm.s32 @!p2 $0x0  }
0x1d: {  	s5 =	simm.s32 @p1 $0x1;
	p0 =	seq.s32 s7, s2  }
0x1e: {  	s7 =	smul.u32 @!p0 $0xF7A, s2;
	p2 =	seq.s32 @!p0 s5, $0x0  }
0x1f: {  	s9 =	smul.u32 $0xF7A, s1;
	s8 =	simm.s32 @!p0 $0x1BF5;
	p2 =	por !p2, p0  }
0x20: {  	[sflag:s8] =	ssyncset.s32 @!p0 $0xFFFFF086;
	s6 =	sadd.s32 @!p0 s3, s7;
	s7 =	simm.s32 @!p0 $0x108  }
0x21: {  	s3 =	sadd.s32 s3, s9;
	s6 =	sadd.s32 @!p0 $0x88, s6;
	s7 =	simm.s32 @p2 $0x1082  }
0x22: {  	[simem:s7], [sflag:s8] =	dma.local @!p0 [hbm:s6], $0xF7A  }
0x23: {  	s9 =	sor.u32 $0xD0000000, s2;
	s6 =	simm.s32 $0x108;
	_ =	swait.ge @!p0 [sflag:s8], $0x0  }
0x24: {  	s3 =	sadd.s32 $0x88, s3;
	s6 =	simm.s32 @!p1 $0x1082;
	[sflag:s4] =	ssyncset.s32 $0xFFFFF086  }
0x25: {  	[simem:s6], [sflag:s4] =	dma.local [hbm:s3], $0xF7A  }
0x26: {  	[smem:$0x3F9D] =	sst s1;
	(tag) =	ssettag s2;
	_ =	strace s9  }
0x27: {  	s1 =	sld [smem:$0x3FAD]  }
0x28: {  	s2 =	sld [smem:$0x3FAE]  }
0x29: {  	s4 =	sld [smem:$0x3FB0]  }
0x2a: {  	p0 =	seq.s32 s5, $0x0;
	s5 =	sld [smem:$0x3FB1]  }
0x2b: {  	s6 =	sld [smem:$0x3FB2]  }
0x2c: {  	s7 =	sld [smem:$0x3FB3]  }
0x2d: {  	s3 =	simm.s32 $0x108;
	s8 =	sld [smem:$0x3FB4]  }
0x2e: {  	s3 =	simm.s32 @!p0 $0x1082;
	s9 =	sld [smem:$0x3FB5]  }
0x2f: {  	lr =	sadd.s32 s0, s3;
	s0 =	sld [smem:$0x3FAC]  }
0x30: {  	s3 =	sld [smem:$0x3FAF]  }
0x31: {  	[smem:$0x3FB8] =	sst s10  }
0x32: {  	s10 =	sld [smem:$0x3FB6];
	_ =	sdelay $0x3  }
0x33: {  	p0 =	seq.s32 s10, $0x1;
	s10 =	sld [smem:$0x3FB8];
	_ =	sdelay $0x3  }
0x34: {  	[smem:$0x3FB8] =	sst s10  }
0x35: {  	s10 =	sld [smem:$0x3FB7];
	_ =	sdelay $0x3  }
0x36: {  	p1 =	seq.s32 s10, $0x1;
	s10 =	sld [smem:$0x3FB8];
	_ =	sdelay $0x3  }
0x37: {  	[smem:$0x3FB8] =	sst s10  }
0x38: {  	s10 =	sld [smem:$0x3FB9]  }
0x39: {  	_ = 	snop;
	(pc) =	sbr.ind lr, $3  }
0x3a: {  	_ = 	snop  }
0x3b: {  	_ = 	snop  }
0x3c: {  	p2 =	seq.s32 s10, $0x1;
	s10 =	sld [smem:$0x3FB8]  }
0x3d: {  	_ =	shalt  }
0x3e: {  	_ =	shalt  }
0x3f: {  	_ =	shalt  }
0x40: {  	_ =	shalt  }
0x41: {  	_ =	shalt  }
0x42: {  	_ =	shalt  }
0x43: {  	_ =	shalt  }
0x44: {  	_ =	shalt  }
0x45: {  	_ =	shalt  }
0x46: {  	_ =	shalt  }
0x47: {  	_ =	shalt  }
0x48: {  	_ =	shalt  }
0x49: {  	_ =	shalt  }
0x4a: {  	_ =	shalt  }
0x4b: {  	_ =	shalt  }
0x4c: {  	_ =	shalt  }
0x4d: {  	_ =	shalt  }
0x4e: {  	_ =	shalt  }
0x4f: {  	_ =	shalt  }
0x50: {  	_ =	shalt  }
0x51: {  	_ =	shalt  }
0x52: {  	_ =	shalt  }
0x53: {  	_ =	shalt  }
0x54: {  	_ =	shalt  }
0x55: {  	_ =	shalt  }
0x56: {  	_ =	shalt  }
0x57: {  	_ =	shalt  }
0x58: {  	_ =	shalt  }
0x59: {  	_ =	shalt  }
0x5a: {  	_ =	shalt  }
0x5b: {  	_ =	shalt  }
0x5c: {  	_ =	shalt  }
0x5d: {  	_ =	shalt  }
0x5e: {  	_ =	shalt  }
0x5f: {  	_ =	shalt  }
0x60: {  	_ =	shalt  }
0x61: {  	_ =	shalt  }
0x62: {  	_ =	shalt  }
0x63: {  	_ =	shalt  }
0x64: {  	_ =	shalt  }
0x65: {  	_ =	shalt  }
0x66: {  	_ =	shalt  }
0x67: {  	_ =	shalt  }
0x68: {  	_ =	shalt  }
0x69: {  	_ =	shalt  }
0x6a: {  	_ =	shalt  }
0x6b: {  	_ =	shalt  }
0x6c: {  	_ =	shalt  }
0x6d: {  	_ =	shalt  }
0x6e: {  	_ =	shalt  }
0x6f: {  	_ =	shalt  }
0x70: {  	_ =	shalt  }
0x71: {  	_ =	shalt  }
0x72: {  	_ =	shalt  }
0x73: {  	_ =	shalt  }
0x74: {  	_ =	shalt  }
0x75: {  	_ =	shalt  }
0x76: {  	_ =	shalt  }
0x77: {  	_ =	shalt  }
0x78: {  	_ =	shalt  }
0x79: {  	_ =	shalt  }
0x7a: {  	_ =	shalt  }
0x7b: {  	_ =	shalt  }
0x7c: {  	_ =	shalt  }
0x7d: {  	_ =	shalt  }
0x7e: {  	_ =	shalt  }
0x7f: {  	_ =	shalt  }
0x80: {  	_ =	shalt  }
0x81: {  	_ =	shalt  }
0x82: {  	_ =	shalt  }
0x83: {  	_ =	shalt  }
0x84: {  	_ =	shalt  }
0x85: {  	_ =	shalt  }
0x86: {  	_ =	shalt  }
0x87: {  	_ =	shalt  }
.Lfunc_end0:
.L_simem_size_0:
called_computation_lowered:
.L_overlay_start_0:
0x88: {  	s2 =	sld [smem:$0x3FD9]  }
0x89: {  	s3 =	sld [smem:$0x3FFE];
	_ =	sdelay $0x1  }
0x8a: {  	s1 =	srdreg.scid  }
0x8b: {  	s0 =	sand.u32 $0x1, s1  }
0x8c: {  	s17 =	sshll.u32 s0, $0xA;
	s2 =	sadd.s32 s3, s2  }
0x8d: {  	s2 =	sadd.s32 s2, s17  }
0x8e: {  	[smem:$0x3FC4] =	sst s2  }
0x8f: {  	_ = 	snop  }
0x90: {  	s2 =	sld [smem:$0x3FC9]  }
0x91: {  	s18 =	sld [smem:$0x3FC8]  }
0x92: {  	s4 =	sld [smem:$0x3FC7]  }
0x93: {  	s5 =	sld [smem:$0x3FC6];
	(tm) =	ssettm $0x1  }
0x94: {  	s6 =	sld [smem:$0x3FFB];
	_ =	sdelay $0x3  }
0x95: {  	_ =	strace s6  }
0x96: {  	s6 =	sld [smem:$0x3FFC];
	_ =	sdelay $0x3  }
0x97: {  	_ =	strace s6  }
0x98: {  	s6 =	sld [smem:$0x3FFD];
	_ =	sdelay $0x3  }
0x99: {  	_ =	strace s6  }
0x9a: {  	_ =	strace $0x8FFFFFFF  }
0x9b: {  	s19 =	sld [smem:$0x3FDB];
	_ =	sdelay $0x1  }
0x9c: {  	s7 =	simm.s32 $_scs_section_size  }
0x9d: {  	s8 =	simm.s32 $_size__tile_overlayer_lowered;
	s9 =	simm.s32 $_tile_overlayer_lowered  }
0x9e: {  	s22 =	simm.s32 $0x1BFF;
	s21 =	sshll.u32 s9, $0x1;
	s6 =	sadd.s32 s7, s19  }
0x9f: {  	s10 =	simm.s32 $0x0;
	s20 =	sshll.u32 s8, $0x1;
	s8 =	sadd.s32 s21, s6  }
0xa0: {  	[timem:s10], [sflag:s22] =	dma.local [hbm:s8], s20  }
0xa1: {  	_ =	swait.ge [sflag:s22], s20  }
0xa2: {  	s7 =	ssub.s32 $0x0, s20;
	[sflag:s22] =	ssyncset.done $0x0  }
0xa3: {  	[sflag:s22] =	ssyncadd.s32 s7;
	_ =	sdelay $0x1  }
0xa4: {  	s23 =	simm.s32 $0x1B8B  }
0xa5: {  	_ =	swait.ge [sflag:s23], $0x1  }
0xa6: {  	[sflag:s23] =	ssyncset.done $0x0  }
0xa7: {  	s25 =	simm.s32 $0x1B8E;
	s24 =	sld [smem:$0x3FFE];
	[sflag:s23] =	ssyncadd.s32 $0xFFFFFFFF  }
0xa8: {  	s26 =	simm.s32 $execute0_lowered;
	[smem:$0x3FD2] =	sst s25  }
0xa9: {  	s8 =	sshll.u32 s26, $0x1;
	_ =	strace $0x80000046;
	[dreg:$0x1] =	wrdreg $0xFFFFFFFF  }
0xaa: {  	s28 =	simm.s32 $_size_execute0_lowered;
	s6 =	sadd.s32 s6, s8;
	[dreg:$0x0] =	wrdreg $0x0  }
0xab: {  	s8 =	sshll.u32 s28, $0x1;
	[dreg:$0x2] =	wrdreg s6  }
0xac: {  	[dreg:$0x3] =	wrdreg s8  }
0xad: {  	[dreg:$0x4] =	wrdreg $0xC0  }
0xae: {  	_ =	task [dreg:s10], $0x5FFFF  }
0xaf: {  	[dreg:$0x1] =	wrdreg $0xFFFFFFFF  }
0xb0: {  	[dreg:$0x0] =	wrdreg $0x60  }
0xb1: {  	[dreg:$0x2] =	wrdreg s2  }
0xb2: {  	[dreg:$0x3] =	wrdreg s18  }
0xb3: {  	[dreg:$0x4] =	wrdreg s4  }
0xb4: {  	[dreg:$0x5] =	wrdreg s5  }
0xb5: {  	[dreg:$0x6] =	wrdreg s24  }
0xb6: {  	[dreg:$0x7] =	wrdreg $0x9  }
0xb7: {  	_ =	task.clear_ibuf [dreg:s10], $0x8FFFF;
	_ =	strace $0x90000046  }
0xb8: {  	s29 =	simm.s32 $0x9;
	_ =	strace $0x80000048  }
0xb9: {  	_ =	swait.ge [sflag:s29], $0x1  }
0xba: {  	[sflag:s29] =	ssyncadd.s32 $0xFFFFFFFF  }
0xbb: {  	_ =	strace $0x90000048  }
0xbc: {  	_ =	sfence  }
0xbd: {  	s30 =	sld [smem:$0x0];
	_ =	sdelay $0x2  }
0xbe: {  	s31 =	sshll.u32 s1, $0xD;
	s1 =	sshrl.u32 s1, $0x2  }
0xbf: {  	s3 =	sand.u32 $0x4000, s31;
	s1 =	sadd.s32 s1, s30  }
0xc0: {  	s0 =	sor.u32 s3, s0;
	s1 =	sshll.u32 s1, $0x11  }
0xc1: {  	s0 =	sor.u32 s1, s0  }
0xc2: {  	s0 =	sadd.s32 $0x8F2B, s0  }
0xc3: {  	[sflag:s0] =	ssyncadd.remote.s32 $0x1  }
0xc4: {  	_ =	sfence.sel $0xFFFF  }
0xc5: {  	[dreg:$0x0] =	wrdreg $0xFFFFFFFF;
	(pc) =	sbr.abs _section_cstart, $3  }
0xc6: {  	[dreg:$0x1] =	wrdreg $0xFFFFFFFF  }
0xc7: {  	_ =	task.clear_ibuf [dreg:s10], $0x2FFFF;
	_ =	strace $0x9FFFFFFF  }
0xc8: {  	(tm) =	ssettm $0x7FFFFFFF  }
0xc9: {  	_ =	shalt  }
tec
execute0_lowered:
.L_overlay_start_1:
0x0: {  	(tag) =	ssettag $0x1  }
0x1: {  	s0 =	rddreg [dreg:$0x0]  }
0x2: {  	s1 =	rddreg [dreg:$0x1]  }
0x3: {  	s2 =	rddreg [dreg:$0x2]  }
0x4: {  	s6 =	rddreg [dreg:$0x3]  }
0x5: {  	s7 =	rddreg [dreg:$0x4]  }
0x6: {  	s3 =	srdreg.scid;
	s5 =	stileid.u32  }
0x7: {  	s11 =	simm.s32 $0x1;
	s12 =	simm.s32 $0x1000;
	s13 =	simm.s32 $0x18000  }
0x8: {  	s14 =	simm.s32 $0x9000;
	s15 =	simm.s32 $0x19000;
	s16 =	simm.s32 $0x2  }
0x9: {  	s17 =	simm.s32 $0x1A100;
	s18 =	simm.s32 $0x3;
	s19 =	simm.s32 $0x1A000  }
0xa: {  	s20 =	simm.s32 $0x4;
	s21 =	simm.s32 $0x0;
	s4 =	sand.u32 $0x1, s3  }
0xb: {  	s5 =	sshll.u32 s5, $0x1;
	s3 =	simm.s32 $0x0;
	s8 =	ssub.s32 $0x2, s4  }
.Ltmp0:
0xc: {  	s9 =	sor.u32 s4, s5;
	[smem:$0x7FF] =	sst s3;
	(pc) =	sbr.rel .LBB2_1-.Ltmp0, $4  }
0xd: {  	s30 =	sshrl.u32 s8, $0x1;
	s10 =	sshll.u32 s9, $0xC;
	_ =	strace $0x80000047  }
0xe: {  	s31 =	sshll.u32 s9, $0x5;
	s9 =	simm.s32 $0x8000;
	s8 =	ssub.s32 s8, s30  }
0xf: {  	s4 =	sadd.s32 s1, s10;
	s5 =	sadd.s32 s2, s10;
	s6 =	sadd.s32 s6, s10  }
0x10: {  	v0 =	vlaneseq.u32;
	s7 =	sadd.s32 s7, s31;
	s10 =	simm.s32 $0x10000;
	s8 =	smax.u32 s8, $0x1  }
.LBB2_22:
0x11: {  	v7 =	vadd.f32 v7, v8;
	_ =	sdelay $0x1  }
0x12: {  	v2 =	vadd.f32 v2, v4;
	v63 =	vadd.f32 v6, v7;
	_ =	sdelay $0x1  }
0x13: {  	v2 =	vadd.f32 v3, v2;
	v3 =	vadd.f32 v5, v63;
	_ =	sdelay $0x1  }
0x14: {  	v1 =	vadd.f32 v1, v2;
	v2 =	vmul.f32 $-1.270000000e+02, v3;
	_ =	sdelay $0x1  }
0x15: {  	s21 =	sadd.s32 $0x1, s21;
	v1 =	vadd.f32 v2, v1  }
0x16: {  	p0 =	sne.s32 s21, s8;
	[tilespmem:$0x1A080] =	vst v3  }
.Ltmp1:
0x17: {  	[tilespmem:$0x1A000] =	vst v1;
	(pc) =	sbr.rel @!p0 .LBB2_23-.Ltmp1, $4  }
0x18: {  	[hbm4b:s7+s3] =	stream.linear.scatter [tilespmem:s19], [sflag:$0x4], $0x100, $0x38;
	[tilespmem:$0x1A500] =	vst v63  }
0x19: {  	_ =	swait.ge [sflag:s20], $0x100  }
0x1a: {  	[sflag:s20] =	ssyncset.done $0x0  }
0x1b: {  	[sflag:s20] =	ssyncadd.s32 $0xFFFFFF00  }
.LBB2_1:
0x1c: {  	s1 =	simm.s32 $0x0  }
0x1d: {  	v1 =	vor.u32 s1, v0  }
0x1e: {  	v1 =	vcvt.s32.f32 v1;
	_ =	sdelay $0x1  }
0x1f: {  	v1 =	vadd.f32 $5.000000000e-01, v1;
	_ =	sdelay $0x1  }
0x20: {  	s29 =	simm.s32 $0x10;
	v4 =	vmul.f32 $9.765625000e-04, v1  }
0x21: {  	v1 =	vor.u32 s29, v0  }
0x22: {  	v1 =	vcvt.s32.f32 v1;
	v2 =	vmul.f32 $4.392862690e-02, v4;
	_ =	sdelay $0x1  }
0x23: {  	v1 =	vadd.f32 $5.000000000e-01, v1;
	v2 =	vadd.f32 $-1.898324490e-01, v2  }
0x24: {  	s30 =	simm.s32 $0x20  }
0x25: {  	v3 =	vor.u32 s30, v0;
	v1 =	vmul.f32 $9.765625000e-04, v1;
	v2 =	vmul.f32 v2, v4  }
0x26: {  	v3 =	vcvt.s32.f32 v3  }
0x27: {  	v5 =	vmul.f32 $4.392862690e-02, v1;
	v2 =	vadd.f32 $4.115614890e-01, v2  }
0x28: {  	v3 =	vadd.f32 $5.000000000e-01, v3  }
0x29: {  	v5 =	vadd.f32 $-1.898324490e-01, v5;
	v6 =	vmul.f32 v2, v4  }
0x2a: {  	s31 =	simm.s32 $0x30;
	v2 =	vmul.f32 $9.765625000e-04, v3  }
0x2b: {  	v3 =	vor.u32 s31, v0;
	v5 =	vmul.f32 v5, v1;
	v6 =	vadd.f32 $-7.072534560e-01, v6  }
0x2c: {  	v3 =	vcvt.s32.f32 v3  }
0x2d: {  	s2 =	simm.s32 $0x40;
	v7 =	vmul.f32 $4.392862690e-02, v2;
	v5 =	vadd.f32 $4.115614890e-01, v5;
	v6 =	vmul.f32 v6, v4  }
0x2e: {  	[tilespmem:s3], [sflag:$0x1] =	stream.linear.gather [hbm4b:s4+s3], $0x8000, $0x38;
	v8 =	vor.u32 s2, v0;
	v3 =	vadd.f32 $5.000000000e-01, v3;
	[tilespmem:$0x1A500] =	vst v63  }
0x2f: {  	v7 =	vadd.f32 $-1.898324490e-01, v7;
	v5 =	vmul.f32 v5, v1;
	v6 =	vadd.f32 $4.415920670e-01, v6  }
0x30: {  	[tilespmem:s9], [sflag:$0x1] =	stream.linear.gather [hbm4b:s5+s3], $0x8000, $0x38;
	v8 =	vcvt.s32.f32 v8;
	v3 =	vmul.f32 $9.765625000e-04, v3;
	[tilespmem:$0x1A500] =	vst v63  }
0x31: {  	v7 =	vmul.f32 v7, v2;
	v9 =	vadd.f32 $-7.072534560e-01, v5;
	v10 =	vmul.f32 v6, v4  }
0x32: {  	[tilespmem:s10], [sflag:$0x1] =	stream.linear.gather [hbm4b:s6+s3], $0x8000, $0x38;
	v6 =	vmul.f32 $4.392862690e-02, v3;
	[tilespmem:$0x1A500] =	vst v63  }
0x33: {  	s1 =	simm.s32 $0x1A100;
	v5 =	vadd.f32 $4.115614890e-01, v7;
	v7 =	vadd.f32 $5.000000000e-01, v8;
	v4 =	vmul.f32 v9, v1;
	[tilespmem:s17+$0x0] =	vst v10  }
.LBB2_2:
0x34: {  	s2 =	sadd.s32 $0x10, s2  }
0x35: {  	v6 =	vadd.f32 $-1.898324490e-01, v6;
	v5 =	vmul.f32 v5, v2;
	v4 =	vadd.f32 $4.415920670e-01, v4;
	p0 =	slt.u32 s2, $0x3F0  }
.Ltmp2:
0x36: {  	v8 =	vor.u32 s2, v0;
	v7 =	vmul.f32 $9.765625000e-04, v7;
	(pc) =	sbr.rel @p0 .LBB2_2-.Ltmp2, $4  }
0x37: {  	v9 =	vmul.f32 v6, v3;
	v10 =	vadd.f32 $-7.072534560e-01, v5;
	v11 =	vmul.f32 v4, v1;
	v1 =	vmovc v2;
	v2 =	vmovc v3  }
0x38: {  	s1 =	sadd.s32 $0x10, s1;
	v8 =	vcvt.s32.f32 v8;
	v3 =	vmov v7  }
0x39: {  	v6 =	vmul.f32 $4.392862690e-02, v3;
	v5 =	vadd.f32 $4.115614890e-01, v9;
	v4 =	vmul.f32 v10, v1;
	[tilespmem:s1+$0x0] =	vst v11  }
0x3a: {  	v7 =	vadd.f32 $5.000000000e-01, v8  }
0x3b: {  	_ = 	snop  }
0x3c: {  	v7 =	vmul.f32 $9.765625000e-04, v7;
	_ =	sdelay $0x1  }
0x3d: {  	v8 =	vmul.f32 $4.392862690e-02, v7  }
0x3e: {  	v6 =	vadd.f32 $-1.898324490e-01, v6  }
0x3f: {  	v8 =	vadd.f32 $-1.898324490e-01, v8  }
0x40: {  	v6 =	vmul.f32 v6, v3  }
0x41: {  	v8 =	vmul.f32 v8, v7  }
0x42: {  	v6 =	vadd.f32 $4.115614890e-01, v6  }
0x43: {  	v5 =	vmul.f32 v5, v2;
	v8 =	vadd.f32 $4.115614890e-01, v8  }
0x44: {  	v6 =	vmul.f32 v6, v3  }
0x45: {  	v5 =	vadd.f32 $-7.072534560e-01, v5;
	v8 =	vmul.f32 v8, v7  }
0x46: {  	v6 =	vadd.f32 $-7.072534560e-01, v6  }
0x47: {  	v5 =	vmul.f32 v5, v2;
	v8 =	vadd.f32 $-7.072534560e-01, v8  }
0x48: {  	v4 =	vadd.f32 $4.415920670e-01, v4;
	v6 =	vmul.f32 v6, v3  }
0x49: {  	v5 =	vadd.f32 $4.415920670e-01, v5;
	v8 =	vmul.f32 v8, v7  }
0x4a: {  	v1 =	vmul.f32 v4, v1;
	v4 =	vadd.f32 $4.415920670e-01, v6  }
0x4b: {  	s1 =	sadd.s32 $0x10, s1;
	v2 =	vmul.f32 v5, v2;
	v5 =	vadd.f32 $4.415920670e-01, v8  }
0x4c: {  	[tilespmem:s1+$0x0] =	vst v1;
	s1 =	sadd.s32 $0x10, s1;
	v1 =	vmul.f32 v4, v3  }
0x4d: {  	[tilespmem:s1+$0x0] =	vst v2;
	s1 =	sadd.s32 $0x10, s1;
	v2 =	vmul.f32 v5, v7  }
0x4e: {  	[tilespmem:s1+$0x0] =	vst v1;
	s1 =	sadd.s32 $0x10, s1  }
0x4f: {  	[tilespmem:s1+$0x0] =	vst v2  }
0x50: {  	_ =	swait.ge [sflag:s11], $0x8000  }
0x51: {  	[sflag:s11] =	ssyncset.done $0x0  }
0x52: {  	[sflag:s11] =	ssyncadd.s32 $0xFFFF8000  }
0x53: {  	_ =	swait.ge [sflag:s11], $0x8000  }
0x54: {  	[sflag:s11] =	ssyncset.done $0x0  }
0x55: {  	[sflag:s11] =	ssyncadd.s32 $0xFFFF8000  }
0x56: {  	_ =	swait.ge [sflag:s11], $0x8000  }
0x57: {  	[sflag:s11] =	ssyncset.done $0x0  }
0x58: {  	s31 =	simm.s32 $0x40;
	[sflag:s11] =	ssyncadd.s32 $0xFFFF8000  }
0x59: {  	s22 =	simm.s32 $0x8040;
	v1 =	vld [tilespmem:s31+$0x30]  }
0x5a: {  	v2 =	vld [tilespmem:s22+$0x30]  }
0x5b: {  	v3 =	vld [tilespmem:s31+$0xFFFFFFD0]  }
0x5c: {  	v4 =	vld [tilespmem:s31+$0xFFFFFFE0]  }
0x5d: {  	v9 =	vld [tilespmem:s31+$0xFFFFFFF0]  }
0x5e: {  	v10 =	vld [tilespmem:s31+$0x0]  }
0x5f: {  	v11 =	vld [tilespmem:s31+$0x10]  }
0x60: {  	v12 =	vld [tilespmem:s31+$0x20]  }
0x61: {  	v7 =	vld [tilespmem:s31+$0xFFFFFFC0]  }
0x62: {  	v13 =	vld [tilespmem:s22+$0xFFFFFFC0]  }
0x63: {  	v14 =	vld [tilespmem:s22+$0xFFFFFFD0]  }
0x64: {  	v8 =	vld [tilespmem:s22+$0xFFFFFFE0]  }
0x65: {  	v6 =	vld [tilespmem:s22+$0xFFFFFFF0];
	v1 =	vshll.u32 v1, $0x7;
	v15 =	vshll.u32 v3, $0x7  }
0x66: {  	v5 =	vshll.u32 v4, $0x7;
	v3 =	vshll.u32 v7, $0x7;
	v7 =	vld [tilespmem:s22+$0x0];
	v1 =	vadd.s32 v2, v1  }
0x67: {  	v4 =	vshll.u32 v9, $0x7;
	v9 =	vld [tilespmem:s22+$0x10];
	v2 =	vshll.u32 v10, $0x7;
	v10 =	vadd.s32 v13, v3;
	[tilespmem:s22+$0x30] =	vst v1  }
0x68: {  	s23 =	simm.s32 $0x0;
	s24 =	simm.s32 $0x8040;
	s1 =	simm.s32 $0xC0;
	v3 =	vshll.u32 v11, $0x7;
	v11 =	vadd.s32 v14, v15;
	v1 =	vshll.u32 v12, $0x7;
	[tilespmem:s22+$0xFFFFFFC0] =	vst v10;
	v10 =	vld [tilespmem:s22+$0x20]  }
.LBB2_4:
0x69: {  	v12 =	vld [tilespmem:s1+$0x30];
	s23 =	sadd.s32 $0x80, s23;
	[tilespmem:s22+$0xFFFFFFD0] =	vst v11;
	v5 =	vadd.s32 v8, v5;
	s24 =	sadd.s32 $0x80, s24  }
0x6a: {  	v8 =	vld [tilespmem:s24+$0x30];
	p0 =	slt.u32 s23, $0xF80;
	[tilespmem:s22+$0xFFFFFFE0] =	vst v5;
	v4 =	vadd.s32 v6, v4  }
0x6b: {  	v5 =	vld [tilespmem:s1+$0xFFFFFFD0];
	[tilespmem:s22+$0xFFFFFFF0] =	vst v4;
	v2 =	vadd.s32 v7, v2  }
0x6c: {  	v4 =	vld [tilespmem:s1+$0xFFFFFFE0];
	[tilespmem:s22+$0x0] =	vst v2;
	v2 =	vadd.s32 v9, v3  }
0x6d: {  	v3 =	vld [tilespmem:s1+$0xFFFFFFF0];
	[tilespmem:s22+$0x10] =	vst v2;
	v1 =	vadd.s32 v10, v1  }
0x6e: {  	v2 =	vld [tilespmem:s1+$0x0];
	v6 =	vshll.u32 v12, $0x7;
	[tilespmem:s22+$0x20] =	vst v1;
	s22 =	smov.u32 s24  }
0x6f: {  	v1 =	vld [tilespmem:s1+$0x10];
	v6 =	vadd.s32 v8, v6  }
0x70: {  	v10 =	vshll.u32 v5, $0x7;
	v7 =	vld [tilespmem:s1+$0x20];
	[tilespmem:s24+$0x30] =	vst v6  }
0x71: {  	v9 =	vld [tilespmem:s1+$0xFFFFFFC0];
	v5 =	vshll.u32 v4, $0x7  }
0x72: {  	v11 =	vld [tilespmem:s24+$0xFFFFFFC0];
	v4 =	vshll.u32 v3, $0x7  }
0x73: {  	v12 =	vld [tilespmem:s24+$0xFFFFFFD0];
	v2 =	vshll.u32 v2, $0x7  }
.Ltmp3:
0x74: {  	v8 =	vld [tilespmem:s24+$0xFFFFFFE0];
	v3 =	vshll.u32 v1, $0x7;
	(pc) =	sbr.rel @p0 .LBB2_4-.Ltmp3, $4  }
0x75: {  	v6 =	vld [tilespmem:s24+$0xFFFFFFF0];
	v1 =	vshll.u32 v7, $0x7  }
0x76: {  	v9 =	vshll.u32 v9, $0x7;
	v7 =	vld [tilespmem:s24+$0x0]  }
0x77: {  	v11 =	vadd.s32 v11, v9;
	v9 =	vld [tilespmem:s24+$0x10]  }
0x78: {  	s1 =	sadd.s32 $0x80, s1;
	[tilespmem:s24+$0xFFFFFFC0] =	vst v11;
	v11 =	vadd.s32 v12, v10;
	v10 =	vld [tilespmem:s24+$0x20]  }
0x79: {  	[tilespmem:s22+$0xFFFFFFD0] =	vst v11;
	v5 =	vadd.s32 v8, v5  }
0x7a: {  	[tilespmem:s22+$0xFFFFFFE0] =	vst v5;
	v4 =	vadd.s32 v6, v4  }
0x7b: {  	[tilespmem:s22+$0xFFFFFFF0] =	vst v4;
	v2 =	vadd.s32 v7, v2  }
0x7c: {  	[tilespmem:s22+$0x0] =	vst v2;
	v2 =	vadd.s32 v9, v3  }
0x7d: {  	[tilespmem:s22+$0x10] =	vst v2;
	v1 =	vadd.s32 v10, v1  }
0x7e: {  	s1 =	simm.s32 $0x1070;
	[tilespmem:s22+$0x20] =	vst v1  }
0x7f: {  	[tilespmem:s13], [sflag:$0x2] =	stream.indirect.gather [hbm4b:s0+s12], $0x1, s9, s12, $0xb8;
	[tilespmem:$0x1A500] =	vst v63  }
0x80: {  	s22 =	simm.s32 $0x9070;
	v1 =	vld [tilespmem:s1+$0x0]  }
0x81: {  	v2 =	vld [tilespmem:s22+$0x0]  }
0x82: {  	v3 =	vld [tilespmem:s1+$0xFFFFFFA0]  }
0x83: {  	v4 =	vld [tilespmem:s1+$0xFFFFFFB0]  }
0x84: {  	v9 =	vld [tilespmem:s1+$0xFFFFFFC0]  }
0x85: {  	v10 =	vld [tilespmem:s1+$0xFFFFFFD0]  }
0x86: {  	v11 =	vld [tilespmem:s1+$0xFFFFFFE0]  }
0x87: {  	v12 =	vld [tilespmem:s1+$0xFFFFFFF0]  }
0x88: {  	v7 =	vld [tilespmem:s1+$0xFFFFFF90]  }
0x89: {  	v13 =	vld [tilespmem:s22+$0xFFFFFF90]  }
0x8a: {  	v14 =	vld [tilespmem:s22+$0xFFFFFFA0]  }
0x8b: {  	v8 =	vld [tilespmem:s22+$0xFFFFFFB0]  }
0x8c: {  	v6 =	vld [tilespmem:s22+$0xFFFFFFC0];
	v1 =	vshll.u32 v1, $0x7;
	v15 =	vshll.u32 v3, $0x7  }
0x8d: {  	v5 =	vshll.u32 v4, $0x7;
	v3 =	vshll.u32 v7, $0x7;
	v7 =	vld [tilespmem:s22+$0xFFFFFFD0];
	v1 =	vadd.s32 v2, v1  }
0x8e: {  	v4 =	vshll.u32 v9, $0x7;
	v9 =	vld [tilespmem:s22+$0xFFFFFFE0];
	v2 =	vshll.u32 v10, $0x7;
	v10 =	vadd.s32 v13, v3;
	[tilespmem:s22+$0x0] =	vst v1  }
0x8f: {  	s23 =	simm.s32 $0x0;
	s24 =	simm.s32 $0x9070;
	s1 =	simm.s32 $0x10F0;
	v3 =	vshll.u32 v11, $0x7;
	v11 =	vadd.s32 v14, v15;
	v1 =	vshll.u32 v12, $0x7;
	[tilespmem:s22+$0xFFFFFF90] =	vst v10;
	v10 =	vld [tilespmem:s22+$0xFFFFFFF0]  }
.LBB2_6:
0x90: {  	v12 =	vld [tilespmem:s1+$0x0];
	s23 =	sadd.s32 $0x80, s23;
	[tilespmem:s22+$0xFFFFFFA0] =	vst v11;
	v5 =	vadd.s32 v8, v5;
	s24 =	sadd.s32 $0x80, s24  }
0x91: {  	v8 =	vld [tilespmem:s24+$0x0];
	p0 =	slt.u32 s23, $0xF80;
	[tilespmem:s22+$0xFFFFFFB0] =	vst v5;
	v4 =	vadd.s32 v6, v4  }
0x92: {  	v5 =	vld [tilespmem:s1+$0xFFFFFFA0];
	[tilespmem:s22+$0xFFFFFFC0] =	vst v4;
	v2 =	vadd.s32 v7, v2  }
0x93: {  	v4 =	vld [tilespmem:s1+$0xFFFFFFB0];
	[tilespmem:s22+$0xFFFFFFD0] =	vst v2;
	v2 =	vadd.s32 v9, v3  }
0x94: {  	v3 =	vld [tilespmem:s1+$0xFFFFFFC0];
	[tilespmem:s22+$0xFFFFFFE0] =	vst v2;
	v1 =	vadd.s32 v10, v1  }
0x95: {  	v2 =	vld [tilespmem:s1+$0xFFFFFFD0];
	v6 =	vshll.u32 v12, $0x7;
	[tilespmem:s22+$0xFFFFFFF0] =	vst v1;
	s22 =	smov.u32 s24  }
0x96: {  	v1 =	vld [tilespmem:s1+$0xFFFFFFE0];
	v6 =	vadd.s32 v8, v6  }
0x97: {  	v10 =	vshll.u32 v5, $0x7;
	v7 =	vld [tilespmem:s1+$0xFFFFFFF0];
	[tilespmem:s24+$0x0] =	vst v6  }
0x98: {  	v9 =	vld [tilespmem:s1+$0xFFFFFF90];
	v5 =	vshll.u32 v4, $0x7  }
0x99: {  	v11 =	vld [tilespmem:s24+$0xFFFFFF90];
	v4 =	vshll.u32 v3, $0x7  }
0x9a: {  	v12 =	vld [tilespmem:s24+$0xFFFFFFA0];
	v2 =	vshll.u32 v2, $0x7  }
.Ltmp4:
0x9b: {  	v8 =	vld [tilespmem:s24+$0xFFFFFFB0];
	v3 =	vshll.u32 v1, $0x7;
	(pc) =	sbr.rel @p0 .LBB2_6-.Ltmp4, $4  }
0x9c: {  	v6 =	vld [tilespmem:s24+$0xFFFFFFC0];
	v1 =	vshll.u32 v7, $0x7  }
0x9d: {  	v9 =	vshll.u32 v9, $0x7;
	v7 =	vld [tilespmem:s24+$0xFFFFFFD0]  }
0x9e: {  	v11 =	vadd.s32 v11, v9;
	v9 =	vld [tilespmem:s24+$0xFFFFFFE0]  }
0x9f: {  	s1 =	sadd.s32 $0x80, s1;
	[tilespmem:s24+$0xFFFFFF90] =	vst v11;
	v11 =	vadd.s32 v12, v10;
	v10 =	vld [tilespmem:s24+$0xFFFFFFF0]  }
0xa0: {  	[tilespmem:s22+$0xFFFFFFA0] =	vst v11;
	v5 =	vadd.s32 v8, v5  }
0xa1: {  	[tilespmem:s22+$0xFFFFFFB0] =	vst v5;
	v4 =	vadd.s32 v6, v4  }
0xa2: {  	[tilespmem:s22+$0xFFFFFFC0] =	vst v4;
	v2 =	vadd.s32 v7, v2  }
0xa3: {  	[tilespmem:s22+$0xFFFFFFD0] =	vst v2;
	v2 =	vadd.s32 v9, v3  }
0xa4: {  	s23 =	simm.s32 $0xA070;
	s24 =	simm.s32 $0x2070;
	v8 =	vimm.f32 $0.0e+00;
	v5 =	vimm.f32 $0.0e+00;
	[tilespmem:s22+$0xFFFFFFE0] =	vst v2;
	v1 =	vadd.s32 v10, v1  }
0xa5: {  	s2 =	simm.s32 $0xB070;
	s26 =	simm.s32 $0x3070;
	v6 =	vimm.f32 $0.0e+00;
	v7 =	vimm.f32 $0.0e+00;
	v4 =	vimm.f32 $0.0e+00;
	[tilespmem:s22+$0xFFFFFFF0] =	vst v1;
	s22 =	simm.s32 $0x0  }
0xa6: {  	v3 =	vimm.f32 $0.0e+00;
	v2 =	vimm.f32 $0.0e+00;
	v1 =	vimm.f32 $0.0e+00;
	[tilespmem:s15], [sflag:$0x3] =	stream.indirect.gather [hbm4b:s0+s12], $0x1, s14, s12, $0xb8;
	[tilespmem:$0x1A500] =	vst v63  }
.LBB2_8:
0xa7: {  	p0 =	seq.s32 s22, $0x3  }
.Ltmp5:
0xa8: {  	_ = 	snop;
	(pc) =	sbr.rel @p0 .LBB2_12-.Ltmp5, $1  }
0xa9: {  	_ =	sdelay $0x3  }
0xaa: {  	v9 =	vld [tilespmem:s24+$0x0]  }
0xab: {  	v10 =	vld [tilespmem:s23+$0x0]  }
0xac: {  	v11 =	vld [tilespmem:s24+$0xFFFFFFA0]  }
0xad: {  	v12 =	vld [tilespmem:s24+$0xFFFFFFB0]  }
0xae: {  	v17 =	vld [tilespmem:s24+$0xFFFFFFC0]  }
0xaf: {  	v18 =	vld [tilespmem:s24+$0xFFFFFFD0]  }
0xb0: {  	v19 =	vld [tilespmem:s24+$0xFFFFFFE0]  }
0xb1: {  	v20 =	vld [tilespmem:s24+$0xFFFFFFF0]  }
0xb2: {  	v15 =	vld [tilespmem:s24+$0xFFFFFF90]  }
0xb3: {  	v21 =	vld [tilespmem:s23+$0xFFFFFF90]  }
0xb4: {  	v22 =	vld [tilespmem:s23+$0xFFFFFFA0]  }
0xb5: {  	v16 =	vld [tilespmem:s23+$0xFFFFFFB0]  }
0xb6: {  	v14 =	vld [tilespmem:s23+$0xFFFFFFC0];
	v9 =	vshll.u32 v9, $0x7;
	v23 =	vshll.u32 v11, $0x7  }
0xb7: {  	v13 =	vshll.u32 v12, $0x7;
	v11 =	vshll.u32 v15, $0x7;
	v15 =	vld [tilespmem:s23+$0xFFFFFFD0];
	v9 =	vadd.s32 v10, v9  }
0xb8: {  	s29 =	simm.s32 $0x0;
	v12 =	vshll.u32 v17, $0x7;
	v17 =	vld [tilespmem:s23+$0xFFFFFFE0];
	v10 =	vshll.u32 v18, $0x7;
	v18 =	vadd.s32 v21, v11;
	[tilespmem:s23+$0x0] =	vst v9  }
0xb9: {  	s30 =	sadd.s32 $0x80, s24;
	s28 =	smov.u32 s23;
	s1 =	smov.u32 s23;
	v11 =	vshll.u32 v19, $0x7;
	v19 =	vadd.s32 v22, v23;
	v9 =	vshll.u32 v20, $0x7;
	[tilespmem:s23+$0xFFFFFF90] =	vst v18;
	v18 =	vld [tilespmem:s23+$0xFFFFFFF0]  }
.LBB2_10:
0xba: {  	v20 =	vld [tilespmem:s30+$0x0];
	s29 =	sadd.s32 $0x80, s29;
	[tilespmem:s28+$0xFFFFFFA0] =	vst v19;
	v13 =	vadd.s32 v16, v13;
	s1 =	sadd.s32 $0x80, s1  }
0xbb: {  	v16 =	vld [tilespmem:s1+$0x0];
	p1 =	slt.u32 s29, $0xF80;
	[tilespmem:s28+$0xFFFFFFB0] =	vst v13;
	v12 =	vadd.s32 v14, v12  }
0xbc: {  	v13 =	vld [tilespmem:s30+$0xFFFFFFA0];
	[tilespmem:s28+$0xFFFFFFC0] =	vst v12;
	v10 =	vadd.s32 v15, v10  }
0xbd: {  	v12 =	vld [tilespmem:s30+$0xFFFFFFB0];
	[tilespmem:s28+$0xFFFFFFD0] =	vst v10;
	v10 =	vadd.s32 v17, v11  }
0xbe: {  	v11 =	vld [tilespmem:s30+$0xFFFFFFC0];
	[tilespmem:s28+$0xFFFFFFE0] =	vst v10;
	v9 =	vadd.s32 v18, v9  }
0xbf: {  	v10 =	vld [tilespmem:s30+$0xFFFFFFD0];
	v14 =	vshll.u32 v20, $0x7;
	[tilespmem:s28+$0xFFFFFFF0] =	vst v9;
	s28 =	smov.u32 s1  }
0xc0: {  	v9 =	vld [tilespmem:s30+$0xFFFFFFE0];
	v14 =	vadd.s32 v16, v14  }
0xc1: {  	v18 =	vshll.u32 v13, $0x7;
	v15 =	vld [tilespmem:s30+$0xFFFFFFF0];
	[tilespmem:s1+$0x0] =	vst v14  }
0xc2: {  	v17 =	vld [tilespmem:s30+$0xFFFFFF90];
	v13 =	vshll.u32 v12, $0x7  }
0xc3: {  	v19 =	vld [tilespmem:s1+$0xFFFFFF90];
	v12 =	vshll.u32 v11, $0x7  }
0xc4: {  	v20 =	vld [tilespmem:s1+$0xFFFFFFA0];
	v10 =	vshll.u32 v10, $0x7  }
.Ltmp6:
0xc5: {  	v16 =	vld [tilespmem:s1+$0xFFFFFFB0];
	v11 =	vshll.u32 v9, $0x7;
	(pc) =	sbr.rel @p1 .LBB2_10-.Ltmp6, $4  }
0xc6: {  	v14 =	vld [tilespmem:s1+$0xFFFFFFC0];
	v9 =	vshll.u32 v15, $0x7  }
0xc7: {  	v17 =	vshll.u32 v17, $0x7;
	v15 =	vld [tilespmem:s1+$0xFFFFFFD0]  }
0xc8: {  	v19 =	vadd.s32 v19, v17;
	v17 =	vld [tilespmem:s1+$0xFFFFFFE0]  }
0xc9: {  	s30 =	sadd.s32 $0x80, s30;
	[tilespmem:s1+$0xFFFFFF90] =	vst v19;
	v19 =	vadd.s32 v20, v18;
	v18 =	vld [tilespmem:s1+$0xFFFFFFF0]  }
0xca: {  	[tilespmem:s28+$0xFFFFFFA0] =	vst v19;
	v13 =	vadd.s32 v16, v13  }
0xcb: {  	[tilespmem:s28+$0xFFFFFFB0] =	vst v13;
	v12 =	vadd.s32 v14, v12  }
0xcc: {  	[tilespmem:s28+$0xFFFFFFC0] =	vst v12;
	v10 =	vadd.s32 v15, v10  }
0xcd: {  	[tilespmem:s28+$0xFFFFFFD0] =	vst v10;
	v10 =	vadd.s32 v17, v11  }
0xce: {  	[tilespmem:s28+$0xFFFFFFE0] =	vst v10;
	v9 =	vadd.s32 v18, v9  }
0xcf: {  	[tilespmem:s28+$0xFFFFFFF0] =	vst v9  }
.LBB2_12:
0xd0: {  	_ =	swait.ge [sflag:s16], $0x1000  }
0xd1: {  	s1 =	sshll.u32 s22, $0xF;
	[sflag:s16] =	ssyncset.done $0x0  }
0xd2: {  	s28 =	sshrl.u32 s1, $0x2;
	s1 =	simm.s32 $0x18020;
	[sflag:s16] =	ssyncadd.s32 $0xFFFFF000  }
0xd3: {  	v13 =	vld [tilespmem:s1+$0xFFFFFFE0]  }
0xd4: {  	v16 =	vld [tilespmem:s1+$0xFFFFFFF0]  }
0xd5: {  	s25 =	simm.s32 $0x0;
	v12 =	vld [tilespmem:s1+$0x0]  }
0xd6: {  	s30 =	sand.u32 $0xF80, s25;
	s29 =	sadd.s32 $0x10000, s28;
	v14 =	vld [tilespmem:s1+$0x10];
	s1 =	simm.s32 $0x18060  }
0xd7: {  	s25 =	sand.u32 $0x40, s25;
	s30 =	sadd.s32 s30, s29;
	v22 =	vld [tilespmem:s1+$0xFFFFFFE0]  }
0xd8: {  	s25 =	sadd.s32 s25, s30;
	v24 =	vld [tilespmem:s1+$0xFFFFFFF0]  }
0xd9: {  	v11 =	vld [tilespmem:s25+$0x20]  }
0xda: {  	v9 =	vld [tilespmem:s25+$0x30]  }
0xdb: {  	s30 =	simm.s32 $0x40;
	v10 =	vld [tilespmem:s25+$0x10];
	v15 =	vshrl.u32 v13, $0xD  }
0xdc: {  	v20 =	vld [tilespmem:s25+$0x0];
	s25 =	sand.u32 $0xF80, s30;
	v15 =	vand.u32 $0x3FF, v15  }
0xdd: {  	v26 =	vld [tilespmem:s1+$0x0];
	s31 =	sand.u32 $0x40, s30;
	s25 =	sadd.s32 s25, s29  }
0xde: {  	v27 =	vld [tilespmem:s1+$0x10];
	s25 =	sadd.s32 s31, s25;
	v17 =	vshrl.u32 v12, $0xD;
	v18 =	vshrl.u32 v16, $0xD  }
0xdf: {  	v21 =	vcvt.s32.f32 v13;
	v13 =	vld [tilespmem:s25+$0x10];
	v25 =	vand.u32 $0x3FF, v17;
	v17 =	vcvt.s32.f32 v12  }
0xe0: {  	v29 =	vand.u32 $0x3FF, v18;
	v18 =	vshrl.u32 v14, $0xD;
	v12 =	vld [tilespmem:s25+$0x20];
	v23 =	vcvt.s32.f32 v24  }
0xe1: {  	v31 =	vand.u32 $0x3FF, v18;
	v18 =	vadd.f32 v9, v5;
	v32 =	vmul.f32 $1.192092900e-07, v21;
	v30 =	vld.idx.msk [tilespmem:v15+s17+$0x0], $0xffff  }
0xe2: {  	v21 =	vcvt.s32.f32 v22;
	v5 =	vshrl.u32 v22, $0xD;
	v22 =	vshrl.u32 v24, $0xD;
	v24 =	vld [tilespmem:s25+$0x0]  }
0xe3: {  	v16 =	vcvt.s32.f32 v16;
	v33 =	vshrl.u32 v26, $0xD;
	v19 =	vadd.f32 v10, v7;
	v15 =	vld [tilespmem:s25+$0x30]  }
0xe4: {  	v7 =	vadd.f32 v11, v6;
	v8 =	vadd.f32 v20, v8;
	v6 =	vcvt.s32.f32 v26;
	v28 =	vld.idx.msk [tilespmem:v25+s17+$0x0], $0xffff  }
0xe5: {  	v17 =	vmul.f32 $1.192092900e-07, v17;
	v5 =	vand.u32 $0x3FF, v5;
	v22 =	vand.u32 $0x3FF, v22;
	v25 =	vld.idx.msk [tilespmem:v29+s17+$0x0], $0xffff  }
0xe6: {  	s31 =	simm.s32 $0x180A0;
	v29 =	vmul.f32 $1.192092900e-07, v6;
	v6 =	vand.u32 $0x3FF, v33;
	v26 =	vld.idx.msk [tilespmem:v31+s17+$0x0], $0xffff;
	v30 =	vadd.f32 v32, v30  }
.LBB2_13:
0xe7: {  	s30 =	sadd.s32 $0x40, s30;
	v31 =	vld [tilespmem:s31+$0xFFFFFFE0];
	v19 =	vadd.f32 v13, v19;
	v32 =	vcvt.s32.f32 v14;
	v14 =	vmov v27  }
0xe8: {  	v18 =	vadd.f32 v15, v18;
	v20 =	vmul.f32 v30, v20;
	v27 =	vmul.f32 $1.192092900e-07, v16;
	v16 =	vmovc v23;
	s1 =	sand.u32 $0xF80, s30;
	s25 =	sand.u32 $0x40, s30;
	v33 =	vld [tilespmem:s31+$0xFFFFFFF0];
	p1 =	slt.u32 s30, $0xFC0  }
0xe9: {  	v34 =	vmul.f32 $1.192092900e-07, v21;
	v7 =	vadd.f32 v12, v7;
	v21 =	vadd.f32 v17, v28;
	v17 =	vmovc v29;
	s1 =	sadd.s32 s1, s29;
	v30 =	vld [tilespmem:s31+$0x0]  }
0xea: {  	v4 =	vadd.f32 v20, v4;
	v23 =	vmul.f32 $1.192092900e-07, v32;
	s1 =	sadd.s32 s25, s1;
	v35 =	vld.idx.msk [tilespmem:v5+s17+$0x0], $0xffff;
	v5 =	vshrl.u32 v14, $0xD  }
0xeb: {  	v25 =	vadd.f32 v27, v25;
	v27 =	vmul.f32 v21, v11;
	v11 =	vmovc v12;
	v8 =	vadd.f32 v24, v8;
	v12 =	vld [tilespmem:s1+$0x20]  }
0xec: {  	v36 =	vand.u32 $0x3FF, v5;
	v5 =	vadd.f32 v23, v26;
	v20 =	vmovc v24;
	v21 =	vcvt.s32.f32 v31;
	v32 =	vld [tilespmem:s1+$0x30]  }
0xed: {  	v24 =	vmul.f32 v25, v10;
	v10 =	vmovc v13;
	v3 =	vadd.f32 v27, v3;
	v23 =	vcvt.s32.f32 v33;
	v13 =	vld [tilespmem:s1+$0x10]  }
.Ltmp7:
0xee: {  	v29 =	vmul.f32 v5, v9;
	v9 =	vmov v15;
	v26 =	vcvt.s32.f32 v30;
	v27 =	vld [tilespmem:s31+$0x10];
	(pc) =	sbr.rel @p1 .LBB2_13-.Ltmp7, $4  }
0xef: {  	v5 =	vshrl.u32 v31, $0xD;
	v31 =	vshrl.u32 v33, $0xD;
	v2 =	vadd.f32 v24, v2;
	v28 =	vld.idx.msk [tilespmem:v6+s17+$0x0], $0xffff  }
0xf0: {  	v5 =	vand.u32 $0x3FF, v5;
	v1 =	vadd.f32 v29, v1;
	v25 =	vld.idx.msk [tilespmem:v22+s17+$0x0], $0xffff;
	v22 =	vand.u32 $0x3FF, v31  }
0xf1: {  	v6 =	vshrl.u32 v30, $0xD;
	v30 =	vadd.f32 v34, v35;
	v29 =	vmul.f32 $1.192092900e-07, v26;
	v26 =	vld.idx.msk [tilespmem:v36+s17+$0x0], $0xffff;
	v15 =	vmovc v32  }
0xf2: {  	s31 =	sadd.s32 $0x40, s31;
	v6 =	vand.u32 $0x3FF, v6;
	v24 =	vld [tilespmem:s1+$0x0]  }
0xf3: {  	_ = 	snop  }
0xf4: {  	v31 =	vshrl.u32 v27, $0xD  }
0xf5: {  	v31 =	vand.u32 $0x3FF, v31;
	_ =	sdelay $0x1  }
0xf6: {  	v32 =	vld.idx.msk [tilespmem:v5+s17+$0x0], $0xffff  }
0xf7: {  	v20 =	vmul.f32 v30, v20;
	v5 =	vadd.f32 v13, v19;
	v14 =	vcvt.s32.f32 v14;
	v57 =	vld.idx.msk [tilespmem:v6+s17+$0x0], $0xffff  }
0xf8: {  	v6 =	vadd.f32 v15, v18;
	v16 =	vmul.f32 $1.192092900e-07, v16;
	v58 =	vld.idx.msk [tilespmem:v22+s17+$0x0], $0xffff;
	v17 =	vadd.f32 v17, v28  }
0xf9: {  	v7 =	vadd.f32 v12, v7;
	v60 =	vcvt.s32.f32 v27;
	v21 =	vmul.f32 $1.192092900e-07, v21;
	v59 =	vld.idx.msk [tilespmem:v31+s17+$0x0], $0xffff  }
0xfa: {  	v4 =	vadd.f32 v20, v4;
	v14 =	vmul.f32 $1.192092900e-07, v14;
	v11 =	vmul.f32 v17, v11  }
0xfb: {  	v16 =	vadd.f32 v16, v25;
	v17 =	vmul.f32 $1.192092900e-07, v60;
	v8 =	vadd.f32 v24, v8  }
0xfc: {  	v14 =	vadd.f32 v14, v26;
	v3 =	vadd.f32 v11, v3;
	v11 =	vmul.f32 $1.192092900e-07, v23  }
0xfd: {  	v10 =	vmul.f32 v16, v10;
	v61 =	vadd.f32 v21, v32;
	v19 =	vadd.f32 v29, v57  }
.Ltmp8:
0xfe: {  	v9 =	vmul.f32 v14, v9;
	v11 =	vadd.f32 v11, v58;
	v62 =	vadd.f32 v17, v59;
	(pc) =	sbr.rel @p0 .LBB2_18-.Ltmp8, $4  }
0xff: {  	v2 =	vadd.f32 v10, v2;
	v10 =	vmul.f32 v61, v24;
	v63 =	vmul.f32 v19, v12  }
0x100: {  	v1 =	vadd.f32 v9, v1;
	v9 =	vmul.f32 v11, v13;
	v11 =	vmul.f32 v62, v15  }
0x101: {  	v4 =	vadd.f32 v10, v4;
	v3 =	vadd.f32 v63, v3  }
0x102: {  	v2 =	vadd.f32 v9, v2;
	v1 =	vadd.f32 v11, v1  }
0x103: {  	s1 =	sadd.s32 $0xA000, s28  }
0x104: {  	[tilespmem:s13], [sflag:$0x2] =	stream.indirect.gather [hbm4b:s0+s12], $0x1, s1, s12, $0xb8;
	[tilespmem:$0x1A500] =	vst v63  }
0x105: {  	v9 =	vld [tilespmem:s26+$0x0]  }
0x106: {  	v10 =	vld [tilespmem:s2+$0x0]  }
0x107: {  	v11 =	vld [tilespmem:s26+$0xFFFFFFA0]  }
0x108: {  	v12 =	vld [tilespmem:s26+$0xFFFFFFB0]  }
0x109: {  	v17 =	vld [tilespmem:s26+$0xFFFFFFC0]  }
0x10a: {  	v18 =	vld [tilespmem:s26+$0xFFFFFFD0]  }
0x10b: {  	v19 =	vld [tilespmem:s26+$0xFFFFFFE0]  }
0x10c: {  	v20 =	vld [tilespmem:s26+$0xFFFFFFF0]  }
0x10d: {  	v15 =	vld [tilespmem:s26+$0xFFFFFF90]  }
0x10e: {  	v21 =	vld [tilespmem:s2+$0xFFFFFF90]  }
0x10f: {  	v22 =	vld [tilespmem:s2+$0xFFFFFFA0]  }
0x110: {  	v16 =	vld [tilespmem:s2+$0xFFFFFFB0]  }
0x111: {  	v14 =	vld [tilespmem:s2+$0xFFFFFFC0];
	v9 =	vshll.u32 v9, $0x7;
	v23 =	vshll.u32 v11, $0x7  }
0x112: {  	v13 =	vshll.u32 v12, $0x7;
	v11 =	vshll.u32 v15, $0x7;
	v15 =	vld [tilespmem:s2+$0xFFFFFFD0];
	v9 =	vadd.s32 v10, v9  }
0x113: {  	s31 =	simm.s32 $0x0;
	v12 =	vshll.u32 v17, $0x7;
	v17 =	vld [tilespmem:s2+$0xFFFFFFE0];
	v10 =	vshll.u32 v18, $0x7;
	v18 =	vadd.s32 v21, v11;
	[tilespmem:s2+$0x0] =	vst v9  }
0x114: {  	s30 =	smov.u32 s2;
	s25 =	smov.u32 s2;
	s1 =	sadd.s32 $0x80, s26;
	v11 =	vshll.u32 v19, $0x7;
	v19 =	vadd.s32 v22, v23;
	v9 =	vshll.u32 v20, $0x7;
	[tilespmem:s2+$0xFFFFFF90] =	vst v18;
	v18 =	vld [tilespmem:s2+$0xFFFFFFF0]  }
.LBB2_16:
0x115: {  	v20 =	vld [tilespmem:s1+$0x0];
	s31 =	sadd.s32 $0x80, s31;
	[tilespmem:s30+$0xFFFFFFA0] =	vst v19;
	v13 =	vadd.s32 v16, v13;
	s25 =	sadd.s32 $0x80, s25  }
0x116: {  	v16 =	vld [tilespmem:s25+$0x0];
	p1 =	slt.u32 s31, $0xF80;
	[tilespmem:s30+$0xFFFFFFB0] =	vst v13;
	v12 =	vadd.s32 v14, v12  }
0x117: {  	v13 =	vld [tilespmem:s1+$0xFFFFFFA0];
	[tilespmem:s30+$0xFFFFFFC0] =	vst v12;
	v10 =	vadd.s32 v15, v10  }
0x118: {  	v12 =	vld [tilespmem:s1+$0xFFFFFFB0];
	[tilespmem:s30+$0xFFFFFFD0] =	vst v10;
	v10 =	vadd.s32 v17, v11  }
0x119: {  	v11 =	vld [tilespmem:s1+$0xFFFFFFC0];
	[tilespmem:s30+$0xFFFFFFE0] =	vst v10;
	v9 =	vadd.s32 v18, v9  }
0x11a: {  	v10 =	vld [tilespmem:s1+$0xFFFFFFD0];
	v14 =	vshll.u32 v20, $0x7;
	[tilespmem:s30+$0xFFFFFFF0] =	vst v9;
	s30 =	smov.u32 s25  }
0x11b: {  	v9 =	vld [tilespmem:s1+$0xFFFFFFE0];
	v14 =	vadd.s32 v16, v14  }
0x11c: {  	v18 =	vshll.u32 v13, $0x7;
	v15 =	vld [tilespmem:s1+$0xFFFFFFF0];
	[tilespmem:s25+$0x0] =	vst v14  }
0x11d: {  	v17 =	vld [tilespmem:s1+$0xFFFFFF90];
	v13 =	vshll.u32 v12, $0x7  }
0x11e: {  	v19 =	vld [tilespmem:s25+$0xFFFFFF90];
	v12 =	vshll.u32 v11, $0x7  }
0x11f: {  	v20 =	vld [tilespmem:s25+$0xFFFFFFA0];
	v10 =	vshll.u32 v10, $0x7  }
.Ltmp9:
0x120: {  	v16 =	vld [tilespmem:s25+$0xFFFFFFB0];
	v11 =	vshll.u32 v9, $0x7;
	(pc) =	sbr.rel @p1 .LBB2_16-.Ltmp9, $4  }
0x121: {  	v14 =	vld [tilespmem:s25+$0xFFFFFFC0];
	v9 =	vshll.u32 v15, $0x7  }
0x122: {  	v17 =	vshll.u32 v17, $0x7;
	v15 =	vld [tilespmem:s25+$0xFFFFFFD0]  }
0x123: {  	v19 =	vadd.s32 v19, v17;
	v17 =	vld [tilespmem:s25+$0xFFFFFFE0]  }
0x124: {  	s1 =	sadd.s32 $0x80, s1;
	[tilespmem:s25+$0xFFFFFF90] =	vst v19;
	v19 =	vadd.s32 v20, v18;
	v18 =	vld [tilespmem:s25+$0xFFFFFFF0]  }
0x125: {  	[tilespmem:s30+$0xFFFFFFA0] =	vst v19;
	v13 =	vadd.s32 v16, v13  }
0x126: {  	[tilespmem:s30+$0xFFFFFFB0] =	vst v13;
	v12 =	vadd.s32 v14, v12  }
0x127: {  	[tilespmem:s30+$0xFFFFFFC0] =	vst v12;
	v10 =	vadd.s32 v15, v10  }
0x128: {  	[tilespmem:s30+$0xFFFFFFD0] =	vst v10;
	v10 =	vadd.s32 v17, v11  }
0x129: {  	[tilespmem:s30+$0xFFFFFFE0] =	vst v10;
	v9 =	vadd.s32 v18, v9  }
0x12a: {  	[tilespmem:s30+$0xFFFFFFF0] =	vst v9  }
.LBB2_18:
0x12b: {  	_ =	swait.ge [sflag:s18], $0x1000  }
0x12c: {  	[sflag:s18] =	ssyncset.done $0x0  }
0x12d: {  	s1 =	simm.s32 $0x19020;
	[sflag:s18] =	ssyncadd.s32 $0xFFFFF000  }
0x12e: {  	s25 =	simm.s32 $0x0;
	v13 =	vld [tilespmem:s1+$0xFFFFFFE0]  }
0x12f: {  	s30 =	sand.u32 $0xF80, s25;
	v16 =	vld [tilespmem:s1+$0xFFFFFFF0]  }
0x130: {  	s25 =	sand.u32 $0x40, s25;
	s30 =	sadd.s32 s30, s29;
	v12 =	vld [tilespmem:s1+$0x0]  }
0x131: {  	s25 =	sadd.s32 s25, s30;
	v14 =	vld [tilespmem:s1+$0x10]  }
0x132: {  	v11 =	vld [tilespmem:s25+$0x1020]  }
0x133: {  	v9 =	vld [tilespmem:s25+$0x1030]  }
0x134: {  	v10 =	vld [tilespmem:s25+$0x1010]  }
0x135: {  	s1 =	simm.s32 $0x19060;
	v19 =	vld [tilespmem:s25+$0x1000]  }
0x136: {  	s30 =	simm.s32 $0x40;
	v23 =	vld [tilespmem:s1+$0xFFFFFFF0];
	v15 =	vshrl.u32 v13, $0xD  }
0x137: {  	v21 =	vld [tilespmem:s1+$0xFFFFFFE0];
	s25 =	sand.u32 $0xF80, s30;
	v15 =	vand.u32 $0x3FF, v15  }
0x138: {  	s31 =	sand.u32 $0x40, s30;
	v25 =	vld [tilespmem:s1+$0x0];
	s25 =	sadd.s32 s25, s29;
	v17 =	vshrl.u32 v12, $0xD  }
0x139: {  	v27 =	vld [tilespmem:s1+$0x10];
	s25 =	sadd.s32 s31, s25;
	v18 =	vshrl.u32 v16, $0xD;
	v20 =	vcvt.s32.f32 v13;
	v24 =	vand.u32 $0x3FF, v17  }
0x13a: {  	v13 =	vld [tilespmem:s25+$0x1010];
	v17 =	vcvt.s32.f32 v12;
	v29 =	vand.u32 $0x3FF, v18;
	v18 =	vshrl.u32 v14, $0xD  }
0x13b: {  	v12 =	vld [tilespmem:s25+$0x1020];
	v22 =	vcvt.s32.f32 v23;
	v30 =	vand.u32 $0x3FF, v18;
	v18 =	vadd.f32 v10, v5  }
0x13c: {  	v5 =	vadd.f32 v9, v6;
	v31 =	vmul.f32 $1.192092900e-07, v20;
	v6 =	vadd.f32 v11, v7;
	v26 =	vld.idx.msk [tilespmem:v15+s17+$0x0], $0xffff  }
0x13d: {  	v20 =	vcvt.s32.f32 v21;
	v7 =	vshrl.u32 v21, $0xD;
	v21 =	vshrl.u32 v23, $0xD;
	v23 =	vld [tilespmem:s25+$0x1000]  }
0x13e: {  	v16 =	vcvt.s32.f32 v16;
	v15 =	vld [tilespmem:s25+$0x1030]  }
0x13f: {  	v8 =	vadd.f32 v19, v8;
	v32 =	vcvt.s32.f32 v25;
	v33 =	vshrl.u32 v25, $0xD;
	v28 =	vld.idx.msk [tilespmem:v24+s17+$0x0], $0xffff  }
0x140: {  	v17 =	vmul.f32 $1.192092900e-07, v17;
	v7 =	vand.u32 $0x3FF, v7;
	v21 =	vand.u32 $0x3FF, v21;
	v24 =	vld.idx.msk [tilespmem:v29+s17+$0x0], $0xffff  }
0x141: {  	s31 =	simm.s32 $0x190A0;
	v29 =	vmul.f32 $1.192092900e-07, v32;
	v25 =	vld.idx.msk [tilespmem:v30+s17+$0x0], $0xffff;
	v30 =	vadd.f32 v31, v26;
	v26 =	vand.u32 $0x3FF, v33  }
.LBB2_19:
0x142: {  	s30 =	sadd.s32 $0x40, s30;
	v31 =	vld [tilespmem:s31+$0xFFFFFFE0];
	v18 =	vadd.f32 v13, v18;
	v32 =	vcvt.s32.f32 v14;
	v14 =	vmov v27  }
0x143: {  	v5 =	vadd.f32 v15, v5;
	v19 =	vmul.f32 v30, v19;
	v27 =	vmul.f32 $1.192092900e-07, v16;
	v16 =	vmovc v22;
	s1 =	sand.u32 $0xF80, s30;
	s25 =	sand.u32 $0x40, s30;
	v33 =	vld [tilespmem:s31+$0xFFFFFFF0];
	p1 =	slt.u32 s30, $0xFC0  }
0x144: {  	v34 =	vmul.f32 $1.192092900e-07, v20;
	v6 =	vadd.f32 v12, v6;
	v20 =	vadd.f32 v17, v28;
	v17 =	vmovc v29;
	s1 =	sadd.s32 s1, s29;
	v30 =	vld [tilespmem:s31+$0x0]  }
0x145: {  	v4 =	vadd.f32 v19, v4;
	v22 =	vmul.f32 $1.192092900e-07, v32;
	s1 =	sadd.s32 s25, s1;
	v35 =	vld.idx.msk [tilespmem:v7+s17+$0x0], $0xffff;
	v7 =	vshrl.u32 v14, $0xD  }
0x146: {  	v24 =	vadd.f32 v27, v24;
	v27 =	vmul.f32 v20, v11;
	v11 =	vmovc v12;
	v8 =	vadd.f32 v23, v8;
	v12 =	vld [tilespmem:s1+$0x1020]  }
0x147: {  	v36 =	vand.u32 $0x3FF, v7;
	v7 =	vadd.f32 v22, v25;
	v19 =	vmovc v23;
	v20 =	vcvt.s32.f32 v31;
	v32 =	vld [tilespmem:s1+$0x1030]  }
0x148: {  	v23 =	vmul.f32 v24, v10;
	v10 =	vmovc v13;
	v3 =	vadd.f32 v27, v3;
	v22 =	vcvt.s32.f32 v33;
	v13 =	vld [tilespmem:s1+$0x1010]  }
.Ltmp10:
0x149: {  	v29 =	vmul.f32 v7, v9;
	v9 =	vmov v15;
	v25 =	vcvt.s32.f32 v30;
	v27 =	vld [tilespmem:s31+$0x10];
	(pc) =	sbr.rel @p1 .LBB2_19-.Ltmp10, $4  }
0x14a: {  	v7 =	vshrl.u32 v31, $0xD;
	v31 =	vshrl.u32 v33, $0xD;
	v2 =	vadd.f32 v23, v2;
	v28 =	vld.idx.msk [tilespmem:v26+s17+$0x0], $0xffff  }
0x14b: {  	v7 =	vand.u32 $0x3FF, v7;
	v1 =	vadd.f32 v29, v1;
	v24 =	vld.idx.msk [tilespmem:v21+s17+$0x0], $0xffff;
	v21 =	vand.u32 $0x3FF, v31  }
0x14c: {  	v26 =	vshrl.u32 v30, $0xD;
	v30 =	vadd.f32 v34, v35;
	v29 =	vmul.f32 $1.192092900e-07, v25;
	v25 =	vld.idx.msk [tilespmem:v36+s17+$0x0], $0xffff;
	v15 =	vmovc v32  }
0x14d: {  	s31 =	sadd.s32 $0x40, s31;
	v26 =	vand.u32 $0x3FF, v26;
	v23 =	vld [tilespmem:s1+$0x1000]  }
0x14e: {  	_ = 	snop  }
0x14f: {  	v31 =	vshrl.u32 v27, $0xD  }
0x150: {  	v31 =	vand.u32 $0x3FF, v31;
	_ =	sdelay $0x1  }
0x151: {  	v32 =	vld.idx.msk [tilespmem:v7+s17+$0x0], $0xffff  }
0x152: {  	v19 =	vmul.f32 v30, v19;
	v7 =	vadd.f32 v13, v18;
	v14 =	vcvt.s32.f32 v14;
	v58 =	vld.idx.msk [tilespmem:v26+s17+$0x0], $0xffff  }
0x153: {  	v5 =	vadd.f32 v15, v5;
	v16 =	vmul.f32 $1.192092900e-07, v16;
	v21 =	vld.idx.msk [tilespmem:v21+s17+$0x0], $0xffff;
	v17 =	vadd.f32 v17, v28  }
0x154: {  	v6 =	vadd.f32 v12, v6;
	v60 =	vcvt.s32.f32 v27;
	v20 =	vmul.f32 $1.192092900e-07, v20;
	v59 =	vld.idx.msk [tilespmem:v31+s17+$0x0], $0xffff  }
0x155: {  	v4 =	vadd.f32 v19, v4;
	v14 =	vmul.f32 $1.192092900e-07, v14;
	v11 =	vmul.f32 v17, v11  }
0x156: {  	v16 =	vadd.f32 v16, v24;
	v17 =	vmul.f32 $1.192092900e-07, v60;
	v8 =	vadd.f32 v23, v8  }
0x157: {  	v14 =	vadd.f32 v14, v25;
	v3 =	vadd.f32 v11, v3;
	v11 =	vmul.f32 $1.192092900e-07, v22  }
0x158: {  	v10 =	vmul.f32 v16, v10;
	v61 =	vadd.f32 v20, v32;
	v18 =	vadd.f32 v29, v58  }
.Ltmp11:
0x159: {  	v9 =	vmul.f32 v14, v9;
	v11 =	vadd.f32 v11, v21;
	v62 =	vadd.f32 v17, v59;
	(pc) =	sbr.rel @p0 .LBB2_22-.Ltmp11, $4  }
0x15a: {  	v2 =	vadd.f32 v10, v2;
	v10 =	vmul.f32 v61, v23;
	v63 =	vmul.f32 v18, v12  }
0x15b: {  	v1 =	vadd.f32 v9, v1;
	v9 =	vmul.f32 v11, v13;
	v11 =	vmul.f32 v62, v15  }
0x15c: {  	v4 =	vadd.f32 v10, v4;
	v3 =	vadd.f32 v63, v3  }
0x15d: {  	v2 =	vadd.f32 v9, v2;
	v1 =	vadd.f32 v11, v1  }
.Ltmp12:
0x15e: {  	(pc) =	sbr.rel .LBB2_8-.Ltmp12, $4  }
0x15f: {  	_ = 	snop  }
0x160: {  	s1 =	sadd.s32 $0xB000, s28;
	s22 =	sadd.s32 $0x1, s22;
	s23 =	sadd.s32 $0x2000, s23  }
0x161: {  	s24 =	sadd.s32 $0x2000, s24;
	s2 =	sadd.s32 $0x2000, s2;
	s26 =	sadd.s32 $0x2000, s26  }
0x162: {  	[tilespmem:s15], [sflag:$0x3] =	stream.indirect.gather [hbm4b:s0+s12], $0x1, s1, s12, $0xb8;
	[tilespmem:$0x1A500] =	vst v63  }
.LBB2_23:
0x163: {  	_ =	sfence.sel $0x180000  }
0x164: {  	[bflag:$0x0] =	sbarrier.arrive $0xFFFF  }
0x165: {  	_ =	strace $0x90000047  }
0x166: {  	s0 =	stileid.u32;
	[bflag:$0x2] =	sbarrier.arrive $0xFFFF  }
0x167: {  	p0 =	sne.s32 s0, $0x0;
	s0 =	rddreg [dreg:$0x5]  }
0x168: {  	s0 =	sadd.s32 @!p0 $0x100000, s0  }
0x169: {  	[sflag:s0] =	ssyncadd.tile.s32 @!p0 $0x1;
	_ =	shalt  }
.Lfunc_end2:
_tile_overlayer_lowered:
.L_overlay_start_2:
0x16a: {  	(tag) =	ssettag $0x2  }
0x16b: {  	s0 =	rddreg [dreg:$0x0];
	s2 =	stileid.u32  }
0x16c: {  	s1 =	rddreg [dreg:$0x1];
	p0 =	sne.s32 s2, $0x0  }
0x16d: {  	s3 =	rddreg [dreg:$0x2];
	[bflag:$0x3] =	sbarrier.arrive $0xFFFF;
	s2 =	simm.s32 @!p0 $0x1C04  }
0x16e: {  	[timem:s3], [sflag:s2] =	dma.local @!p0 [hbm:s0], s1  }
0x16f: {  	s0 =	simm.s32 @!p0 $0x4  }
0x170: {  	_ =	swait.ge @!p0 [sflag:s0], s1  }
0x171: {  	s1 =	ssub.s32 @!p0 $0x0, s1;
	[sflag:s0] =	ssyncset.done @!p0 $0x0  }
0x172: {  	[sflag:s0] =	ssyncadd.s32 @!p0 s1  }
0x173: {  	[bflag:$0x3] =	sbarrier.arrive $0xFFFF  }
0x174: {  	_ =	shalt  }

</sc_bundles>
